<compile_context>
chip_gen: v7x
topology: tpu7x:2x2x1
jax: 0.10.2.dev20260603
libtpu: 0.0.44.dev20260713+nightly
codegen_flags: <defaults>
</compile_context>

<pallas_src>
import functools

import jax
import jax.numpy as jnp
from jax import lax
from jax.experimental import pallas as pl
from jax.experimental.pallas import tpu as pltpu
from jax.experimental.pallas import tpu_sc as plsc

_BATCH = 4096
_HIST = 200
_HIDDEN = 64
_ITEMS = 1000000
_G = 2
_SPLITS = ((0, 96), (96, 104))
_TPR = 16384
_NMAIN = (_ITEMS // _TPR) * _TPR
_NTAIL = _ITEMS - _NMAIN


def _tp_body(tt_ref, tail_ref, out_ref):
    x = tt_ref[...]
    out_ref[:, :_HIDDEN] = x.T

    @pl.when(pl.program_id(0) == 0)
    def _():
        out_ref[:_NTAIL, _HIDDEN:] = tail_ref[...].T


_tp = pl.pallas_call(
    _tp_body,
    grid=(_ITEMS // _TPR,),
    in_specs=[
        pl.BlockSpec((_HIDDEN, _TPR), lambda i: (0, i)),
        pl.BlockSpec((_HIDDEN, _NTAIL), lambda i: (0, 0)),
    ],
    out_specs=pl.BlockSpec((_TPR, 2 * _HIDDEN), lambda i: (i, 0)),
    out_shape=jax.ShapeDtypeStruct((_NMAIN, 2 * _HIDDEN), jnp.float32),
)


def _make_gather():
    info = plsc.get_sparse_core_info()
    nw = info.num_cores * info.num_subcores
    rows_per_w = _BATCH // nw
    n_steps = rows_per_w // _G
    mesh = plsc.VectorSubcoreMesh(core_axis_name="c", subcore_axis_name="s")

    @functools.partial(
        pl.kernel,
        mesh=mesh,
        out_type=jax.ShapeDtypeStruct((_BATCH, _HIST, 2 * _HIDDEN), jnp.float32),
        scratch_types=[
            pltpu.VMEM((rows_per_w, _HIST), jnp.int32),
            pltpu.VMEM((_G, _HIST, _HIDDEN), jnp.float32),
            pltpu.VMEM((_G, _HIST, _HIDDEN), jnp.float32),
            pltpu.SemaphoreType.DMA,
            pltpu.SemaphoreType.DMA,
            pltpu.SemaphoreType.DMA,
            pltpu.SemaphoreType.DMA,
        ],
        compiler_params=pltpu.CompilerParams(use_tc_tiling_on_sc=False),
    )
    def gather_kernel(idx_hbm, table_hbm, out_hbm, idx_v, rows0, rows1,
                      si0, si1, so0, so1):
        wid = lax.axis_index("s") * info.num_cores + lax.axis_index("c")
        base = wid * rows_per_w
        pltpu.sync_copy(idx_hbm.at[pl.ds(base, rows_per_w)], idx_v)

        def fire(c, rows, sem):
            for j in range(_G):
                for off, width in _SPLITS:
                    pltpu.async_copy(
                        table_hbm.at[idx_v.at[_G * c + j, pl.ds(off, width)]],
                        rows.at[j, pl.ds(off, width)],
                        sem,
                    )

        def drain(c, rows, sem):
            for j in range(_G):
                for off, width in _SPLITS:
                    pltpu.make_async_copy(
                        table_hbm.at[idx_v.at[_G * c + j, pl.ds(off, width)]],
                        rows.at[j, pl.ds(off, width)],
                        sem,
                    ).wait()

        def write(c, rows, sem):
            return pltpu.async_copy(
                rows,
                out_hbm.at[pl.ds(base + _G * c, _G), :, pl.ds(0, _HIDDEN)],
                sem)

        def wait_write(c, rows, sem):
            pltpu.make_async_copy(
                rows,
                out_hbm.at[pl.ds(base + _G * c, _G), :, pl.ds(0, _HIDDEN)],
                sem).wait()

        bufs = ((rows0, si0, so0), (rows1, si1, so1))

        def body(cc, carry):
            for b in range(2):
                rows, si, so = bufs[b]
                o_rows, o_si, o_so = bufs[1 - b]
                c = 2 * cc + b

                @pl.when(c >= 2)
                def _():
                    wait_write(c - 2, rows, so)

                fire(c, rows, si)

                @pl.when(c >= 1)
                def _():
                    drain(c - 1, o_rows, o_si)
                    write(c - 1, o_rows, o_so)

            return carry

        lax.fori_loop(0, n_steps // 2, body, 0)

        last = n_steps - 1
        rows, si, so = bufs[last % 2]
        o_rows, o_si, o_so = bufs[1 - last % 2]
        drain(last, rows, si)
        write(last, rows, so)
        wait_write(last - 1, o_rows, o_so)
        wait_write(last, rows, so)

    return gather_kernel


_gather = _make_gather()


def kernel(item_ids, table):
    ids = item_ids.astype(jnp.int32)
    idx2 = jnp.where(ids < _NMAIN, 2 * ids, 2 * (ids - _NMAIN) + 1)
    tail_t = table.T[:, _NMAIN:]
    tpad = _tp(table.T, tail_t)
    t2 = tpad.reshape(2 * _NMAIN, _HIDDEN)
    outp = _gather(idx2, t2)
    return outp[..., :_HIDDEN]

# --- scband reference (transcript-rebuilt; emitter-appended) ---
"""Pipeline reference for scband-random-embedding-3401614098821 (READ-ONLY COPY).

The authoritative reference and input builder live on the scoring server;
editing this copy changes nothing except your own understanding.
"""

import jax, jax.numpy as jnp
import numpy as np

ITEM_NUM = 1000000
HIDDEN = 64
SCALE = 1.0
BATCH = 4096
HIST = 200


def setup_inputs(seed: int = 0) -> dict:
    key = jax.random.key(seed)
    k_tbl, k_idx = jax.random.split(key)
    # nn.Embedding weight init: normal(mean=0, std=0.01) * scale, padding_idx row zeroed
    table = jax.random.normal(k_tbl, (ITEM_NUM, HIDDEN), dtype=jnp.float32) * 0.01 * SCALE
    table = table.at[0].set(0.0)
    item_ids = jax.random.randint(k_idx, (BATCH, HIST), 0, ITEM_NUM, dtype=jnp.int64 if jax.config.jax_enable_x64 else jnp.int32)
    return {"item_ids": item_ids, "table": table}


def reference(item_ids, table):
    # forward: item_embedding(item_ids) -> gather rows
    return jnp.take(table, item_ids, axis=0)

if __name__ == "__main__":
    import jax
    _d = setup_inputs()
    print(jax.jit(kernel)(*tuple(_d.values())))

</pallas_src>

<mosaic_0001>
#map = affine_map<(d0, d1) -> (0, 0)>
#map1 = affine_map<(d0, d1) -> (0, 0, 0)>
module attributes {stable_mosaic.version = 14 : i64} {
  func.func @gather_kernel(%arg0: i32, %arg1: i32, %arg2: memref<4096x200xi32, #tpu.memory_space<hbm>>, %arg3: memref<1998848x64xf32, #tpu.memory_space<hbm>>, %arg4: memref<4096x200x128xf32, #tpu.memory_space<hbm>>, %arg5: memref<128x200xi32, #tpu.memory_space<vmem>>, %arg6: memref<2x200x64xf32, #tpu.memory_space<vmem>>, %arg7: memref<2x200x64xf32, #tpu.memory_space<vmem>>, %arg8: memref<!tpu.dma_semaphore, #tpu.memory_space<semaphore_mem>>, %arg9: memref<!tpu.dma_semaphore, #tpu.memory_space<semaphore_mem>>, %arg10: memref<!tpu.dma_semaphore, #tpu.memory_space<semaphore_mem>>, %arg11: memref<!tpu.dma_semaphore, #tpu.memory_space<semaphore_mem>>) attributes {dimension_semantics = [#tpu.dimension_semantics<core_parallel>, #tpu.dimension_semantics<subcore_parallel>], iteration_bounds = array<i64: 2, 16>, scalar_prefetch = 0 : i64, scratch_operands = 7 : i64, tpu.core_type = #tpu.core_type<sc_vector_subcore>, window_params = [{transform_indices = #map}, {transform_indices = #map}, {transform_indices = #map1}]} {
    %mul3A = arith.constant 2 : i32
    %mul3A_0 = arith.muli %arg1, %mul3A : i32
    %add3A = arith.addi %mul3A_0, %arg0 : i32
    %mul3A_1 = arith.constant 128 : i32
    %mul3A_2 = arith.muli %add3A, %mul3A_1 : i32
    "tpu.region"() ({
      %run_scoped3A = tpu.sem_alloc : memref<!tpu.dma_semaphore, #tpu.memory_space<semaphore_mem>>
      %dma_start3A_78 = arith.constant 0 : i32
      %dma_start3A_79 = tpu.memref_slice %arg2[%mul3A_2, %dma_start3A_78] : memref<4096x200xi32, #tpu.memory_space<hbm>> -> memref<128x200xi32, #tpu.memory_space<hbm>>
      %dma_start3A_80 = arith.constant 0 : i32
      %dma_start3A_81 = tpu.memref_slice %arg2[%mul3A_2, %dma_start3A_80] : memref<4096x200xi32, #tpu.memory_space<hbm>> -> memref<128x200xi32, #tpu.memory_space<hbm>>
      tpu.enqueue_dma source(%dma_start3A_81 : memref<128x200xi32, #tpu.memory_space<hbm>>) target(%arg5 : memref<128x200xi32, #tpu.memory_space<vmem>>) target_semaphore(%run_scoped3A : memref<!tpu.dma_semaphore, #tpu.memory_space<semaphore_mem>>)
      %dma_wait3A_82 = arith.constant 0 : i32
      %dma_wait3A_83 = tpu.memref_slice %arg2[%mul3A_2, %dma_wait3A_82] : memref<4096x200xi32, #tpu.memory_space<hbm>> -> memref<128x200xi32, #tpu.memory_space<hbm>>
      %dma_wait3A_84 = arith.constant 0 : i32
      %dma_wait3A_85 = tpu.memref_slice %arg2[%mul3A_2, %dma_wait3A_84] : memref<4096x200xi32, #tpu.memory_space<hbm>> -> memref<128x200xi32, #tpu.memory_space<hbm>>
      tpu.wait_dma2 semaphore(%run_scoped3A : memref<!tpu.dma_semaphore, #tpu.memory_space<semaphore_mem>>) src(%dma_wait3A_85 : memref<128x200xi32, #tpu.memory_space<hbm>>) dst(%arg5 : memref<128x200xi32, #tpu.memory_space<vmem>>)
      tpu.yield
    }) : () -> ()
    %scan3A = arith.constant 0 : i32
    %scan3A_3 = arith.constant 0 : i32
    %scan3A_4 = arith.constant 32 : i32
    %scan3A_5 = arith.addi %scan3A_3, %scan3A_4 : i32
    %scan3A_6 = arith.constant 1 : i32
    scf.for %scan3A_78 = %scan3A_3 to %scan3A_5 step %scan3A_6  : i32 {
      %mul3A_79 = arith.constant 2 : i32
      %mul3A_80 = arith.muli %mul3A_79, %scan3A_78 : i32
      %add3A_81 = arith.constant 0 : i32
      %add3A_82 = arith.addi %mul3A_80, %add3A_81 : i32
      %ge3A = arith.constant 2 : i32
      %ge3A_83 = arith.cmpi sge, %add3A_82, %ge3A : i32
      %convert_element_type3A = arith.extui %ge3A_83 : i1 to i32
      %cond3A = arith.constant 0 : i32
      %cond3A_84 = arith.cmpi ne, %convert_element_type3A, %cond3A : i32
      scf.if %cond3A_84 {
        %sub3A = arith.constant 2 : i32
        %sub3A_224 = arith.subi %add3A_82, %sub3A : i32
        %mul3A_225 = arith.constant 2 : i32
        %mul3A_226 = arith.muli %mul3A_225, %sub3A_224 : i32
        %add3A_227 = arith.addi %mul3A_2, %mul3A_226 : i32
        %dma_wait3A_228 = arith.constant 0 : i32
        %dma_wait3A_229 = arith.constant 0 : i32
        %dma_wait3A_230 = tpu.memref_slice %arg4[%add3A_227, %dma_wait3A_228, %dma_wait3A_229] : memref<4096x200x128xf32, #tpu.memory_space<hbm>> -> memref<2x200x64xf32, #tpu.memory_space<hbm>>
        %dma_wait3A_231 = arith.constant 0 : i32
        %dma_wait3A_232 = arith.constant 0 : i32
        %dma_wait3A_233 = tpu.memref_slice %arg4[%add3A_227, %dma_wait3A_231, %dma_wait3A_232] : memref<4096x200x128xf32, #tpu.memory_space<hbm>> -> memref<2x200x64xf32, #tpu.memory_space<hbm>>
        tpu.wait_dma2 semaphore(%arg10 : memref<!tpu.dma_semaphore, #tpu.memory_space<semaphore_mem>>) src(%arg6 : memref<2x200x64xf32, #tpu.memory_space<vmem>>) dst(%dma_wait3A_233 : memref<2x200x64xf32, #tpu.memory_space<hbm>>)
      } else {
      }
      %mul3A_85 = arith.constant 2 : i32
      %mul3A_86 = arith.muli %mul3A_85, %add3A_82 : i32
      %add3A_87 = arith.constant 0 : i32
      %add3A_88 = arith.addi %mul3A_86, %add3A_87 : i32
      %dma_start3A_89 = arith.constant 0 : i32
      %dma_start3A_90 = arith.constant 0 : i32
      %dma_start3A_91 = arith.constant 0 : i32
      %dma_start3A_92 = tpu.memref_slice %arg6[%dma_start3A_89, %dma_start3A_90, %dma_start3A_91] : memref<2x200x64xf32, #tpu.memory_space<vmem>> -> memref<1x96x64xf32, #tpu.memory_space<vmem>>
      %dma_start3A_93 = tpu.memref_squeeze %dma_start3A_92 : memref<1x96x64xf32, #tpu.memory_space<vmem>> -> memref<96x64xf32, #tpu.memory_space<vmem>>
      %dma_start3A_94 = arith.constant 0 : i32
      %dma_start3A_95 = tpu.memref_slice %arg5[%add3A_88, %dma_start3A_94] : memref<128x200xi32, #tpu.memory_space<vmem>> -> memref<1x96xi32, #tpu.memory_space<vmem>>
      %dma_start3A_96 = tpu.memref_squeeze %dma_start3A_95 : memref<1x96xi32, #tpu.memory_space<vmem>> -> memref<96xi32, #tpu.memory_space<vmem>>
      %dma_start3A_97 = arith.constant 0 : i32
      %dma_start3A_98 = arith.constant 0 : i32
      %dma_start3A_99 = tpu.memref_slice %arg3[%dma_start3A_97, %dma_start3A_98] : memref<1998848x64xf32, #tpu.memory_space<hbm>> -> memref<1998848x64xf32, #tpu.memory_space<hbm>>
      tpu.enqueue_indirect_dma source(%dma_start3A_99 : memref<1998848x64xf32, #tpu.memory_space<hbm>>) target(%dma_start3A_93 : memref<96x64xf32, #tpu.memory_space<vmem>>) offsets(%dma_start3A_96 : memref<96xi32, #tpu.memory_space<vmem>>) semaphore(%arg8 : memref<!tpu.dma_semaphore, #tpu.memory_space<semaphore_mem>>)
      %mul3A_100 = arith.constant 2 : i32
      %mul3A_101 = arith.muli %mul3A_100, %add3A_82 : i32
      %add3A_102 = arith.constant 0 : i32
      %add3A_103 = arith.addi %mul3A_101, %add3A_102 : i32
      %dma_start3A_104 = arith.constant 0 : i32
      %dma_start3A_105 = arith.constant 96 : i32
      %dma_start3A_106 = arith.constant 0 : i32
      %dma_start3A_107 = tpu.memref_slice %arg6[%dma_start3A_104, %dma_start3A_105, %dma_start3A_106] : memref<2x200x64xf32, #tpu.memory_space<vmem>> -> memref<1x104x64xf32, #tpu.memory_space<vmem>>
      %dma_start3A_108 = tpu.memref_squeeze %dma_start3A_107 : memref<1x104x64xf32, #tpu.memory_space<vmem>> -> memref<104x64xf32, #tpu.memory_space<vmem>>
      %dma_start3A_109 = arith.constant 96 : i32
      %dma_start3A_110 = tpu.memref_slice %arg5[%add3A_103, %dma_start3A_109] : memref<128x200xi32, #tpu.memory_space<vmem>> -> memref<1x104xi32, #tpu.memory_space<vmem>>
      %dma_start3A_111 = tpu.memref_squeeze %dma_start3A_110 : memref<1x104xi32, #tpu.memory_space<vmem>> -> memref<104xi32, #tpu.memory_space<vmem>>
      %dma_start3A_112 = arith.constant 0 : i32
      %dma_start3A_113 = arith.constant 0 : i32
      %dma_start3A_114 = tpu.memref_slice %arg3[%dma_start3A_112, %dma_start3A_113] : memref<1998848x64xf32, #tpu.memory_space<hbm>> -> memref<1998848x64xf32, #tpu.memory_space<hbm>>
      tpu.enqueue_indirect_dma source(%dma_start3A_114 : memref<1998848x64xf32, #tpu.memory_space<hbm>>) target(%dma_start3A_108 : memref<104x64xf32, #tpu.memory_space<vmem>>) offsets(%dma_start3A_111 : memref<104xi32, #tpu.memory_space<vmem>>) semaphore(%arg8 : memref<!tpu.dma_semaphore, #tpu.memory_space<semaphore_mem>>)
      %mul3A_115 = arith.constant 2 : i32
      %mul3A_116 = arith.muli %mul3A_115, %add3A_82 : i32
      %add3A_117 = arith.constant 1 : i32
      %add3A_118 = arith.addi %mul3A_116, %add3A_117 : i32
      %dma_start3A_119 = arith.constant 1 : i32
      %dma_start3A_120 = arith.constant 0 : i32
      %dma_start3A_121 = arith.constant 0 : i32
      %dma_start3A_122 = tpu.memref_slice %arg6[%dma_start3A_119, %dma_start3A_120, %dma_start3A_121] : memref<2x200x64xf32, #tpu.memory_space<vmem>> -> memref<1x96x64xf32, #tpu.memory_space<vmem>>
      %dma_start3A_123 = tpu.memref_squeeze %dma_start3A_122 : memref<1x96x64xf32, #tpu.memory_space<vmem>> -> memref<96x64xf32, #tpu.memory_space<vmem>>
      %dma_start3A_124 = arith.constant 0 : i32
      %dma_start3A_125 = tpu.memref_slice %arg5[%add3A_118, %dma_start3A_124] : memref<128x200xi32, #tpu.memory_space<vmem>> -> memref<1x96xi32, #tpu.memory_space<vmem>>
      %dma_start3A_126 = tpu.memref_squeeze %dma_start3A_125 : memref<1x96xi32, #tpu.memory_space<vmem>> -> memref<96xi32, #tpu.memory_space<vmem>>
      %dma_start3A_127 = arith.constant 0 : i32
      %dma_start3A_128 = arith.constant 0 : i32
      %dma_start3A_129 = tpu.memref_slice %arg3[%dma_start3A_127, %dma_start3A_128] : memref<1998848x64xf32, #tpu.memory_space<hbm>> -> memref<1998848x64xf32, #tpu.memory_space<hbm>>
      tpu.enqueue_indirect_dma source(%dma_start3A_129 : memref<1998848x64xf32, #tpu.memory_space<hbm>>) target(%dma_start3A_123 : memref<96x64xf32, #tpu.memory_space<vmem>>) offsets(%dma_start3A_126 : memref<96xi32, #tpu.memory_space<vmem>>) semaphore(%arg8 : memref<!tpu.dma_semaphore, #tpu.memory_space<semaphore_mem>>)
      %mul3A_130 = arith.constant 2 : i32
      %mul3A_131 = arith.muli %mul3A_130, %add3A_82 : i32
      %add3A_132 = arith.constant 1 : i32
      %add3A_133 = arith.addi %mul3A_131, %add3A_132 : i32
      %dma_start3A_134 = arith.constant 1 : i32
      %dma_start3A_135 = arith.constant 96 : i32
      %dma_start3A_136 = arith.constant 0 : i32
      %dma_start3A_137 = tpu.memref_slice %arg6[%dma_start3A_134, %dma_start3A_135, %dma_start3A_136] : memref<2x200x64xf32, #tpu.memory_space<vmem>> -> memref<1x104x64xf32, #tpu.memory_space<vmem>>
      %dma_start3A_138 = tpu.memref_squeeze %dma_start3A_137 : memref<1x104x64xf32, #tpu.memory_space<vmem>> -> memref<104x64xf32, #tpu.memory_space<vmem>>
      %dma_start3A_139 = arith.constant 96 : i32
      %dma_start3A_140 = tpu.memref_slice %arg5[%add3A_133, %dma_start3A_139] : memref<128x200xi32, #tpu.memory_space<vmem>> -> memref<1x104xi32, #tpu.memory_space<vmem>>
      %dma_start3A_141 = tpu.memref_squeeze %dma_start3A_140 : memref<1x104xi32, #tpu.memory_space<vmem>> -> memref<104xi32, #tpu.memory_space<vmem>>
      %dma_start3A_142 = arith.constant 0 : i32
      %dma_start3A_143 = arith.constant 0 : i32
      %dma_start3A_144 = tpu.memref_slice %arg3[%dma_start3A_142, %dma_start3A_143] : memref<1998848x64xf32, #tpu.memory_space<hbm>> -> memref<1998848x64xf32, #tpu.memory_space<hbm>>
      tpu.enqueue_indirect_dma source(%dma_start3A_144 : memref<1998848x64xf32, #tpu.memory_space<hbm>>) target(%dma_start3A_138 : memref<104x64xf32, #tpu.memory_space<vmem>>) offsets(%dma_start3A_141 : memref<104xi32, #tpu.memory_space<vmem>>) semaphore(%arg8 : memref<!tpu.dma_semaphore, #tpu.memory_space<semaphore_mem>>)
      %ge3A_145 = arith.constant 1 : i32
      %ge3A_146 = arith.cmpi sge, %add3A_82, %ge3A_145 : i32
      %convert_element_type3A_147 = arith.extui %ge3A_146 : i1 to i32
      %cond3A_148 = arith.constant 0 : i32
      %cond3A_149 = arith.cmpi ne, %convert_element_type3A_147, %cond3A_148 : i32
      scf.if %cond3A_149 {
        %sub3A = arith.constant 1 : i32
        %sub3A_224 = arith.subi %add3A_82, %sub3A : i32
        %mul3A_225 = arith.constant 2 : i32
        %mul3A_226 = arith.muli %mul3A_225, %sub3A_224 : i32
        %add3A_227 = arith.constant 0 : i32
        %add3A_228 = arith.addi %mul3A_226, %add3A_227 : i32
        %dma_wait3A_229 = arith.constant 0 : i32
        %dma_wait3A_230 = arith.constant 0 : i32
        %dma_wait3A_231 = arith.constant 0 : i32
        %dma_wait3A_232 = tpu.memref_slice %arg7[%dma_wait3A_229, %dma_wait3A_230, %dma_wait3A_231] : memref<2x200x64xf32, #tpu.memory_space<vmem>> -> memref<1x96x64xf32, #tpu.memory_space<vmem>>
        %dma_wait3A_233 = tpu.memref_squeeze %dma_wait3A_232 : memref<1x96x64xf32, #tpu.memory_space<vmem>> -> memref<96x64xf32, #tpu.memory_space<vmem>>
        %dma_wait3A_234 = arith.constant 0 : i32
        %dma_wait3A_235 = tpu.memref_slice %arg5[%add3A_228, %dma_wait3A_234] : memref<128x200xi32, #tpu.memory_space<vmem>> -> memref<1x96xi32, #tpu.memory_space<vmem>>
        %dma_wait3A_236 = tpu.memref_squeeze %dma_wait3A_235 : memref<1x96xi32, #tpu.memory_space<vmem>> -> memref<96xi32, #tpu.memory_space<vmem>>
        %dma_wait3A_237 = arith.constant 0 : i32
        %dma_wait3A_238 = arith.constant 0 : i32
        %dma_wait3A_239 = tpu.memref_slice %arg3[%dma_wait3A_237, %dma_wait3A_238] : memref<1998848x64xf32, #tpu.memory_space<hbm>> -> memref<1998848x64xf32, #tpu.memory_space<hbm>>
        tpu.wait_indirect_dma semaphore(%arg9 : memref<!tpu.dma_semaphore, #tpu.memory_space<semaphore_mem>>) src(%dma_wait3A_239 : memref<1998848x64xf32, #tpu.memory_space<hbm>>) dst(%dma_wait3A_233 : memref<96x64xf32, #tpu.memory_space<vmem>>)
        %mul3A_240 = arith.constant 2 : i32
        %mul3A_241 = arith.muli %mul3A_240, %sub3A_224 : i32
        %add3A_242 = arith.constant 0 : i32
        %add3A_243 = arith.addi %mul3A_241, %add3A_242 : i32
        %dma_wait3A_244 = arith.constant 0 : i32
        %dma_wait3A_245 = arith.constant 96 : i32
        %dma_wait3A_246 = arith.constant 0 : i32
        %dma_wait3A_247 = tpu.memref_slice %arg7[%dma_wait3A_244, %dma_wait3A_245, %dma_wait3A_246] : memref<2x200x64xf32, #tpu.memory_space<vmem>> -> memref<1x104x64xf32, #tpu.memory_space<vmem>>
        %dma_wait3A_248 = tpu.memref_squeeze %dma_wait3A_247 : memref<1x104x64xf32, #tpu.memory_space<vmem>> -> memref<104x64xf32, #tpu.memory_space<vmem>>
        %dma_wait3A_249 = arith.constant 96 : i32
        %dma_wait3A_250 = tpu.memref_slice %arg5[%add3A_243, %dma_wait3A_249] : memref<128x200xi32, #tpu.memory_space<vmem>> -> memref<1x104xi32, #tpu.memory_space<vmem>>
        %dma_wait3A_251 = tpu.memref_squeeze %dma_wait3A_250 : memref<1x104xi32, #tpu.memory_space<vmem>> -> memref<104xi32, #tpu.memory_space<vmem>>
        %dma_wait3A_252 = arith.constant 0 : i32
        %dma_wait3A_253 = arith.constant 0 : i32
        %dma_wait3A_254 = tpu.memref_slice %arg3[%dma_wait3A_252, %dma_wait3A_253] : memref<1998848x64xf32, #tpu.memory_space<hbm>> -> memref<1998848x64xf32, #tpu.memory_space<hbm>>
        tpu.wait_indirect_dma semaphore(%arg9 : memref<!tpu.dma_semaphore, #tpu.memory_space<semaphore_mem>>) src(%dma_wait3A_254 : memref<1998848x64xf32, #tpu.memory_space<hbm>>) dst(%dma_wait3A_248 : memref<104x64xf32, #tpu.memory_space<vmem>>)
        %mul3A_255 = arith.constant 2 : i32
        %mul3A_256 = arith.muli %mul3A_255, %sub3A_224 : i32
        %add3A_257 = arith.constant 1 : i32
        %add3A_258 = arith.addi %mul3A_256, %add3A_257 : i32
        %dma_wait3A_259 = arith.constant 1 : i32
        %dma_wait3A_260 = arith.constant 0 : i32
        %dma_wait3A_261 = arith.constant 0 : i32
        %dma_wait3A_262 = tpu.memref_slice %arg7[%dma_wait3A_259, %dma_wait3A_260, %dma_wait3A_261] : memref<2x200x64xf32, #tpu.memory_space<vmem>> -> memref<1x96x64xf32, #tpu.memory_space<vmem>>
        %dma_wait3A_263 = tpu.memref_squeeze %dma_wait3A_262 : memref<1x96x64xf32, #tpu.memory_space<vmem>> -> memref<96x64xf32, #tpu.memory_space<vmem>>
        %dma_wait3A_264 = arith.constant 0 : i32
        %dma_wait3A_265 = tpu.memref_slice %arg5[%add3A_258, %dma_wait3A_264] : memref<128x200xi32, #tpu.memory_space<vmem>> -> memref<1x96xi32, #tpu.memory_space<vmem>>
        %dma_wait3A_266 = tpu.memref_squeeze %dma_wait3A_265 : memref<1x96xi32, #tpu.memory_space<vmem>> -> memref<96xi32, #tpu.memory_space<vmem>>
        %dma_wait3A_267 = arith.constant 0 : i32
        %dma_wait3A_268 = arith.constant 0 : i32
        %dma_wait3A_269 = tpu.memref_slice %arg3[%dma_wait3A_267, %dma_wait3A_268] : memref<1998848x64xf32, #tpu.memory_space<hbm>> -> memref<1998848x64xf32, #tpu.memory_space<hbm>>
        tpu.wait_indirect_dma semaphore(%arg9 : memref<!tpu.dma_semaphore, #tpu.memory_space<semaphore_mem>>) src(%dma_wait3A_269 : memref<1998848x64xf32, #tpu.memory_space<hbm>>) dst(%dma_wait3A_263 : memref<96x64xf32, #tpu.memory_space<vmem>>)
        %mul3A_270 = arith.constant 2 : i32
        %mul3A_271 = arith.muli %mul3A_270, %sub3A_224 : i32
        %add3A_272 = arith.constant 1 : i32
        %add3A_273 = arith.addi %mul3A_271, %add3A_272 : i32
        %dma_wait3A_274 = arith.constant 1 : i32
        %dma_wait3A_275 = arith.constant 96 : i32
        %dma_wait3A_276 = arith.constant 0 : i32
        %dma_wait3A_277 = tpu.memref_slice %arg7[%dma_wait3A_274, %dma_wait3A_275, %dma_wait3A_276] : memref<2x200x64xf32, #tpu.memory_space<vmem>> -> memref<1x104x64xf32, #tpu.memory_space<vmem>>
        %dma_wait3A_278 = tpu.memref_squeeze %dma_wait3A_277 : memref<1x104x64xf32, #tpu.memory_space<vmem>> -> memref<104x64xf32, #tpu.memory_space<vmem>>
        %dma_wait3A_279 = arith.constant 96 : i32
        %dma_wait3A_280 = tpu.memref_slice %arg5[%add3A_273, %dma_wait3A_279] : memref<128x200xi32, #tpu.memory_space<vmem>> -> memref<1x104xi32, #tpu.memory_space<vmem>>
        %dma_wait3A_281 = tpu.memref_squeeze %dma_wait3A_280 : memref<1x104xi32, #tpu.memory_space<vmem>> -> memref<104xi32, #tpu.memory_space<vmem>>
        %dma_wait3A_282 = arith.constant 0 : i32
        %dma_wait3A_283 = arith.constant 0 : i32
        %dma_wait3A_284 = tpu.memref_slice %arg3[%dma_wait3A_282, %dma_wait3A_283] : memref<1998848x64xf32, #tpu.memory_space<hbm>> -> memref<1998848x64xf32, #tpu.memory_space<hbm>>
        tpu.wait_indirect_dma semaphore(%arg9 : memref<!tpu.dma_semaphore, #tpu.memory_space<semaphore_mem>>) src(%dma_wait3A_284 : memref<1998848x64xf32, #tpu.memory_space<hbm>>) dst(%dma_wait3A_278 : memref<104x64xf32, #tpu.memory_space<vmem>>)
        %sub3A_285 = arith.constant 1 : i32
        %sub3A_286 = arith.subi %add3A_82, %sub3A_285 : i32
        %mul3A_287 = arith.constant 2 : i32
        %mul3A_288 = arith.muli %mul3A_287, %sub3A_286 : i32
        %add3A_289 = arith.addi %mul3A_2, %mul3A_288 : i32
        %dma_start3A_290 = arith.constant 0 : i32
        %dma_start3A_291 = arith.constant 0 : i32
        %dma_start3A_292 = tpu.memref_slice %arg4[%add3A_289, %dma_start3A_290, %dma_start3A_291] : memref<4096x200x128xf32, #tpu.memory_space<hbm>> -> memref<2x200x64xf32, #tpu.memory_space<hbm>>
        %dma_start3A_293 = arith.constant 0 : i32
        %dma_start3A_294 = arith.constant 0 : i32
        %dma_start3A_295 = tpu.memref_slice %arg4[%add3A_289, %dma_start3A_293, %dma_start3A_294] : memref<4096x200x128xf32, #tpu.memory_space<hbm>> -> memref<2x200x64xf32, #tpu.memory_space<hbm>>
        tpu.enqueue_dma source(%arg7 : memref<2x200x64xf32, #tpu.memory_space<vmem>>) target(%dma_start3A_295 : memref<2x200x64xf32, #tpu.memory_space<hbm>>) target_semaphore(%arg11 : memref<!tpu.dma_semaphore, #tpu.memory_space<semaphore_mem>>)
      } else {
      }
      %mul3A_150 = arith.constant 2 : i32
      %mul3A_151 = arith.muli %mul3A_150, %scan3A_78 : i32
      %add3A_152 = arith.constant 1 : i32
      %add3A_153 = arith.addi %mul3A_151, %add3A_152 : i32
      %ge3A_154 = arith.constant 2 : i32
      %ge3A_155 = arith.cmpi sge, %add3A_153, %ge3A_154 : i32
      %convert_element_type3A_156 = arith.extui %ge3A_155 : i1 to i32
      %cond3A_157 = arith.constant 0 : i32
      %cond3A_158 = arith.cmpi ne, %convert_element_type3A_156, %cond3A_157 : i32
      scf.if %cond3A_158 {
        %sub3A = arith.constant 2 : i32
        %sub3A_224 = arith.subi %add3A_153, %sub3A : i32
        %mul3A_225 = arith.constant 2 : i32
        %mul3A_226 = arith.muli %mul3A_225, %sub3A_224 : i32
        %add3A_227 = arith.addi %mul3A_2, %mul3A_226 : i32
        %dma_wait3A_228 = arith.constant 0 : i32
        %dma_wait3A_229 = arith.constant 0 : i32
        %dma_wait3A_230 = tpu.memref_slice %arg4[%add3A_227, %dma_wait3A_228, %dma_wait3A_229] : memref<4096x200x128xf32, #tpu.memory_space<hbm>> -> memref<2x200x64xf32, #tpu.memory_space<hbm>>
        %dma_wait3A_231 = arith.constant 0 : i32
        %dma_wait3A_232 = arith.constant 0 : i32
        %dma_wait3A_233 = tpu.memref_slice %arg4[%add3A_227, %dma_wait3A_231, %dma_wait3A_232] : memref<4096x200x128xf32, #tpu.memory_space<hbm>> -> memref<2x200x64xf32, #tpu.memory_space<hbm>>
        tpu.wait_dma2 semaphore(%arg11 : memref<!tpu.dma_semaphore, #tpu.memory_space<semaphore_mem>>) src(%arg7 : memref<2x200x64xf32, #tpu.memory_space<vmem>>) dst(%dma_wait3A_233 : memref<2x200x64xf32, #tpu.memory_space<hbm>>)
      } else {
      }
      %mul3A_159 = arith.constant 2 : i32
      %mul3A_160 = arith.muli %mul3A_159, %add3A_153 : i32
      %add3A_161 = arith.constant 0 : i32
      %add3A_162 = arith.addi %mul3A_160, %add3A_161 : i32
      %dma_start3A_163 = arith.constant 0 : i32
      %dma_start3A_164 = arith.constant 0 : i32
      %dma_start3A_165 = arith.constant 0 : i32
      %dma_start3A_166 = tpu.memref_slice %arg7[%dma_start3A_163, %dma_start3A_164, %dma_start3A_165] : memref<2x200x64xf32, #tpu.memory_space<vmem>> -> memref<1x96x64xf32, #tpu.memory_space<vmem>>
      %dma_start3A_167 = tpu.memref_squeeze %dma_start3A_166 : memref<1x96x64xf32, #tpu.memory_space<vmem>> -> memref<96x64xf32, #tpu.memory_space<vmem>>
      %dma_start3A_168 = arith.constant 0 : i32
      %dma_start3A_169 = tpu.memref_slice %arg5[%add3A_162, %dma_start3A_168] : memref<128x200xi32, #tpu.memory_space<vmem>> -> memref<1x96xi32, #tpu.memory_space<vmem>>
      %dma_start3A_170 = tpu.memref_squeeze %dma_start3A_169 : memref<1x96xi32, #tpu.memory_space<vmem>> -> memref<96xi32, #tpu.memory_space<vmem>>
      %dma_start3A_171 = arith.constant 0 : i32
      %dma_start3A_172 = arith.constant 0 : i32
      %dma_start3A_173 = tpu.memref_slice %arg3[%dma_start3A_171, %dma_start3A_172] : memref<1998848x64xf32, #tpu.memory_space<hbm>> -> memref<1998848x64xf32, #tpu.memory_space<hbm>>
      tpu.enqueue_indirect_dma source(%dma_start3A_173 : memref<1998848x64xf32, #tpu.memory_space<hbm>>) target(%dma_start3A_167 : memref<96x64xf32, #tpu.memory_space<vmem>>) offsets(%dma_start3A_170 : memref<96xi32, #tpu.memory_space<vmem>>) semaphore(%arg9 : memref<!tpu.dma_semaphore, #tpu.memory_space<semaphore_mem>>)
      %mul3A_174 = arith.constant 2 : i32
      %mul3A_175 = arith.muli %mul3A_174, %add3A_153 : i32
      %add3A_176 = arith.constant 0 : i32
      %add3A_177 = arith.addi %mul3A_175, %add3A_176 : i32
      %dma_start3A_178 = arith.constant 0 : i32
      %dma_start3A_179 = arith.constant 96 : i32
      %dma_start3A_180 = arith.constant 0 : i32
      %dma_start3A_181 = tpu.memref_slice %arg7[%dma_start3A_178, %dma_start3A_179, %dma_start3A_180] : memref<2x200x64xf32, #tpu.memory_space<vmem>> -> memref<1x104x64xf32, #tpu.memory_space<vmem>>
      %dma_start3A_182 = tpu.memref_squeeze %dma_start3A_181 : memref<1x104x64xf32, #tpu.memory_space<vmem>> -> memref<104x64xf32, #tpu.memory_space<vmem>>
      %dma_start3A_183 = arith.constant 96 : i32
      %dma_start3A_184 = tpu.memref_slice %arg5[%add3A_177, %dma_start3A_183] : memref<128x200xi32, #tpu.memory_space<vmem>> -> memref<1x104xi32, #tpu.memory_space<vmem>>
      %dma_start3A_185 = tpu.memref_squeeze %dma_start3A_184 : memref<1x104xi32, #tpu.memory_space<vmem>> -> memref<104xi32, #tpu.memory_space<vmem>>
      %dma_start3A_186 = arith.constant 0 : i32
      %dma_start3A_187 = arith.constant 0 : i32
      %dma_start3A_188 = tpu.memref_slice %arg3[%dma_start3A_186, %dma_start3A_187] : memref<1998848x64xf32, #tpu.memory_space<hbm>> -> memref<1998848x64xf32, #tpu.memory_space<hbm>>
      tpu.enqueue_indirect_dma source(%dma_start3A_188 : memref<1998848x64xf32, #tpu.memory_space<hbm>>) target(%dma_start3A_182 : memref<104x64xf32, #tpu.memory_space<vmem>>) offsets(%dma_start3A_185 : memref<104xi32, #tpu.memory_space<vmem>>) semaphore(%arg9 : memref<!tpu.dma_semaphore, #tpu.memory_space<semaphore_mem>>)
      %mul3A_189 = arith.constant 2 : i32
      %mul3A_190 = arith.muli %mul3A_189, %add3A_153 : i32
      %add3A_191 = arith.constant 1 : i32
      %add3A_192 = arith.addi %mul3A_190, %add3A_191 : i32
      %dma_start3A_193 = arith.constant 1 : i32
      %dma_start3A_194 = arith.constant 0 : i32
      %dma_start3A_195 = arith.constant 0 : i32
      %dma_start3A_196 = tpu.memref_slice %arg7[%dma_start3A_193, %dma_start3A_194, %dma_start3A_195] : memref<2x200x64xf32, #tpu.memory_space<vmem>> -> memref<1x96x64xf32, #tpu.memory_space<vmem>>
      %dma_start3A_197 = tpu.memref_squeeze %dma_start3A_196 : memref<1x96x64xf32, #tpu.memory_space<vmem>> -> memref<96x64xf32, #tpu.memory_space<vmem>>
      %dma_start3A_198 = arith.constant 0 : i32
      %dma_start3A_199 = tpu.memref_slice %arg5[%add3A_192, %dma_start3A_198] : memref<128x200xi32, #tpu.memory_space<vmem>> -> memref<1x96xi32, #tpu.memory_space<vmem>>
      %dma_start3A_200 = tpu.memref_squeeze %dma_start3A_199 : memref<1x96xi32, #tpu.memory_space<vmem>> -> memref<96xi32, #tpu.memory_space<vmem>>
      %dma_start3A_201 = arith.constant 0 : i32
      %dma_start3A_202 = arith.constant 0 : i32
      %dma_start3A_203 = tpu.memref_slice %arg3[%dma_start3A_201, %dma_start3A_202] : memref<1998848x64xf32, #tpu.memory_space<hbm>> -> memref<1998848x64xf32, #tpu.memory_space<hbm>>
      tpu.enqueue_indirect_dma source(%dma_start3A_203 : memref<1998848x64xf32, #tpu.memory_space<hbm>>) target(%dma_start3A_197 : memref<96x64xf32, #tpu.memory_space<vmem>>) offsets(%dma_start3A_200 : memref<96xi32, #tpu.memory_space<vmem>>) semaphore(%arg9 : memref<!tpu.dma_semaphore, #tpu.memory_space<semaphore_mem>>)
      %mul3A_204 = arith.constant 2 : i32
      %mul3A_205 = arith.muli %mul3A_204, %add3A_153 : i32
      %add3A_206 = arith.constant 1 : i32
      %add3A_207 = arith.addi %mul3A_205, %add3A_206 : i32
      %dma_start3A_208 = arith.constant 1 : i32
      %dma_start3A_209 = arith.constant 96 : i32
      %dma_start3A_210 = arith.constant 0 : i32
      %dma_start3A_211 = tpu.memref_slice %arg7[%dma_start3A_208, %dma_start3A_209, %dma_start3A_210] : memref<2x200x64xf32, #tpu.memory_space<vmem>> -> memref<1x104x64xf32, #tpu.memory_space<vmem>>
      %dma_start3A_212 = tpu.memref_squeeze %dma_start3A_211 : memref<1x104x64xf32, #tpu.memory_space<vmem>> -> memref<104x64xf32, #tpu.memory_space<vmem>>
      %dma_start3A_213 = arith.constant 96 : i32
      %dma_start3A_214 = tpu.memref_slice %arg5[%add3A_207, %dma_start3A_213] : memref<128x200xi32, #tpu.memory_space<vmem>> -> memref<1x104xi32, #tpu.memory_space<vmem>>
      %dma_start3A_215 = tpu.memref_squeeze %dma_start3A_214 : memref<1x104xi32, #tpu.memory_space<vmem>> -> memref<104xi32, #tpu.memory_space<vmem>>
      %dma_start3A_216 = arith.constant 0 : i32
      %dma_start3A_217 = arith.constant 0 : i32
      %dma_start3A_218 = tpu.memref_slice %arg3[%dma_start3A_216, %dma_start3A_217] : memref<1998848x64xf32, #tpu.memory_space<hbm>> -> memref<1998848x64xf32, #tpu.memory_space<hbm>>
      tpu.enqueue_indirect_dma source(%dma_start3A_218 : memref<1998848x64xf32, #tpu.memory_space<hbm>>) target(%dma_start3A_212 : memref<104x64xf32, #tpu.memory_space<vmem>>) offsets(%dma_start3A_215 : memref<104xi32, #tpu.memory_space<vmem>>) semaphore(%arg9 : memref<!tpu.dma_semaphore, #tpu.memory_space<semaphore_mem>>)
      %ge3A_219 = arith.constant 1 : i32
      %ge3A_220 = arith.cmpi sge, %add3A_153, %ge3A_219 : i32
      %convert_element_type3A_221 = arith.extui %ge3A_220 : i1 to i32
      %cond3A_222 = arith.constant 0 : i32
      %cond3A_223 = arith.cmpi ne, %convert_element_type3A_221, %cond3A_222 : i32
      scf.if %cond3A_223 {
        %sub3A = arith.constant 1 : i32
        %sub3A_224 = arith.subi %add3A_153, %sub3A : i32
        %mul3A_225 = arith.constant 2 : i32
        %mul3A_226 = arith.muli %mul3A_225, %sub3A_224 : i32
        %add3A_227 = arith.constant 0 : i32
        %add3A_228 = arith.addi %mul3A_226, %add3A_227 : i32
        %dma_wait3A_229 = arith.constant 0 : i32
        %dma_wait3A_230 = arith.constant 0 : i32
        %dma_wait3A_231 = arith.constant 0 : i32
        %dma_wait3A_232 = tpu.memref_slice %arg6[%dma_wait3A_229, %dma_wait3A_230, %dma_wait3A_231] : memref<2x200x64xf32, #tpu.memory_space<vmem>> -> memref<1x96x64xf32, #tpu.memory_space<vmem>>
        %dma_wait3A_233 = tpu.memref_squeeze %dma_wait3A_232 : memref<1x96x64xf32, #tpu.memory_space<vmem>> -> memref<96x64xf32, #tpu.memory_space<vmem>>
        %dma_wait3A_234 = arith.constant 0 : i32
        %dma_wait3A_235 = tpu.memref_slice %arg5[%add3A_228, %dma_wait3A_234] : memref<128x200xi32, #tpu.memory_space<vmem>> -> memref<1x96xi32, #tpu.memory_space<vmem>>
        %dma_wait3A_236 = tpu.memref_squeeze %dma_wait3A_235 : memref<1x96xi32, #tpu.memory_space<vmem>> -> memref<96xi32, #tpu.memory_space<vmem>>
        %dma_wait3A_237 = arith.constant 0 : i32
        %dma_wait3A_238 = arith.constant 0 : i32
        %dma_wait3A_239 = tpu.memref_slice %arg3[%dma_wait3A_237, %dma_wait3A_238] : memref<1998848x64xf32, #tpu.memory_space<hbm>> -> memref<1998848x64xf32, #tpu.memory_space<hbm>>
        tpu.wait_indirect_dma semaphore(%arg8 : memref<!tpu.dma_semaphore, #tpu.memory_space<semaphore_mem>>) src(%dma_wait3A_239 : memref<1998848x64xf32, #tpu.memory_space<hbm>>) dst(%dma_wait3A_233 : memref<96x64xf32, #tpu.memory_space<vmem>>)
        %mul3A_240 = arith.constant 2 : i32
        %mul3A_241 = arith.muli %mul3A_240, %sub3A_224 : i32
        %add3A_242 = arith.constant 0 : i32
        %add3A_243 = arith.addi %mul3A_241, %add3A_242 : i32
        %dma_wait3A_244 = arith.constant 0 : i32
        %dma_wait3A_245 = arith.constant 96 : i32
        %dma_wait3A_246 = arith.constant 0 : i32
        %dma_wait3A_247 = tpu.memref_slice %arg6[%dma_wait3A_244, %dma_wait3A_245, %dma_wait3A_246] : memref<2x200x64xf32, #tpu.memory_space<vmem>> -> memref<1x104x64xf32, #tpu.memory_space<vmem>>
        %dma_wait3A_248 = tpu.memref_squeeze %dma_wait3A_247 : memref<1x104x64xf32, #tpu.memory_space<vmem>> -> memref<104x64xf32, #tpu.memory_space<vmem>>
        %dma_wait3A_249 = arith.constant 96 : i32
        %dma_wait3A_250 = tpu.memref_slice %arg5[%add3A_243, %dma_wait3A_249] : memref<128x200xi32, #tpu.memory_space<vmem>> -> memref<1x104xi32, #tpu.memory_space<vmem>>
        %dma_wait3A_251 = tpu.memref_squeeze %dma_wait3A_250 : memref<1x104xi32, #tpu.memory_space<vmem>> -> memref<104xi32, #tpu.memory_space<vmem>>
        %dma_wait3A_252 = arith.constant 0 : i32
        %dma_wait3A_253 = arith.constant 0 : i32
        %dma_wait3A_254 = tpu.memref_slice %arg3[%dma_wait3A_252, %dma_wait3A_253] : memref<1998848x64xf32, #tpu.memory_space<hbm>> -> memref<1998848x64xf32, #tpu.memory_space<hbm>>
        tpu.wait_indirect_dma semaphore(%arg8 : memref<!tpu.dma_semaphore, #tpu.memory_space<semaphore_mem>>) src(%dma_wait3A_254 : memref<1998848x64xf32, #tpu.memory_space<hbm>>) dst(%dma_wait3A_248 : memref<104x64xf32, #tpu.memory_space<vmem>>)
        %mul3A_255 = arith.constant 2 : i32
        %mul3A_256 = arith.muli %mul3A_255, %sub3A_224 : i32
        %add3A_257 = arith.constant 1 : i32
        %add3A_258 = arith.addi %mul3A_256, %add3A_257 : i32
        %dma_wait3A_259 = arith.constant 1 : i32
        %dma_wait3A_260 = arith.constant 0 : i32
        %dma_wait3A_261 = arith.constant 0 : i32
        %dma_wait3A_262 = tpu.memref_slice %arg6[%dma_wait3A_259, %dma_wait3A_260, %dma_wait3A_261] : memref<2x200x64xf32, #tpu.memory_space<vmem>> -> memref<1x96x64xf32, #tpu.memory_space<vmem>>
        %dma_wait3A_263 = tpu.memref_squeeze %dma_wait3A_262 : memref<1x96x64xf32, #tpu.memory_space<vmem>> -> memref<96x64xf32, #tpu.memory_space<vmem>>
        %dma_wait3A_264 = arith.constant 0 : i32
        %dma_wait3A_265 = tpu.memref_slice %arg5[%add3A_258, %dma_wait3A_264] : memref<128x200xi32, #tpu.memory_space<vmem>> -> memref<1x96xi32, #tpu.memory_space<vmem>>
        %dma_wait3A_266 = tpu.memref_squeeze %dma_wait3A_265 : memref<1x96xi32, #tpu.memory_space<vmem>> -> memref<96xi32, #tpu.memory_space<vmem>>
        %dma_wait3A_267 = arith.constant 0 : i32
        %dma_wait3A_268 = arith.constant 0 : i32
        %dma_wait3A_269 = tpu.memref_slice %arg3[%dma_wait3A_267, %dma_wait3A_268] : memref<1998848x64xf32, #tpu.memory_space<hbm>> -> memref<1998848x64xf32, #tpu.memory_space<hbm>>
        tpu.wait_indirect_dma semaphore(%arg8 : memref<!tpu.dma_semaphore, #tpu.memory_space<semaphore_mem>>) src(%dma_wait3A_269 : memref<1998848x64xf32, #tpu.memory_space<hbm>>) dst(%dma_wait3A_263 : memref<96x64xf32, #tpu.memory_space<vmem>>)
        %mul3A_270 = arith.constant 2 : i32
        %mul3A_271 = arith.muli %mul3A_270, %sub3A_224 : i32
        %add3A_272 = arith.constant 1 : i32
        %add3A_273 = arith.addi %mul3A_271, %add3A_272 : i32
        %dma_wait3A_274 = arith.constant 1 : i32
        %dma_wait3A_275 = arith.constant 96 : i32
        %dma_wait3A_276 = arith.constant 0 : i32
        %dma_wait3A_277 = tpu.memref_slice %arg6[%dma_wait3A_274, %dma_wait3A_275, %dma_wait3A_276] : memref<2x200x64xf32, #tpu.memory_space<vmem>> -> memref<1x104x64xf32, #tpu.memory_space<vmem>>
        %dma_wait3A_278 = tpu.memref_squeeze %dma_wait3A_277 : memref<1x104x64xf32, #tpu.memory_space<vmem>> -> memref<104x64xf32, #tpu.memory_space<vmem>>
        %dma_wait3A_279 = arith.constant 96 : i32
        %dma_wait3A_280 = tpu.memref_slice %arg5[%add3A_273, %dma_wait3A_279] : memref<128x200xi32, #tpu.memory_space<vmem>> -> memref<1x104xi32, #tpu.memory_space<vmem>>
        %dma_wait3A_281 = tpu.memref_squeeze %dma_wait3A_280 : memref<1x104xi32, #tpu.memory_space<vmem>> -> memref<104xi32, #tpu.memory_space<vmem>>
        %dma_wait3A_282 = arith.constant 0 : i32
        %dma_wait3A_283 = arith.constant 0 : i32
        %dma_wait3A_284 = tpu.memref_slice %arg3[%dma_wait3A_282, %dma_wait3A_283] : memref<1998848x64xf32, #tpu.memory_space<hbm>> -> memref<1998848x64xf32, #tpu.memory_space<hbm>>
        tpu.wait_indirect_dma semaphore(%arg8 : memref<!tpu.dma_semaphore, #tpu.memory_space<semaphore_mem>>) src(%dma_wait3A_284 : memref<1998848x64xf32, #tpu.memory_space<hbm>>) dst(%dma_wait3A_278 : memref<104x64xf32, #tpu.memory_space<vmem>>)
        %sub3A_285 = arith.constant 1 : i32
        %sub3A_286 = arith.subi %add3A_153, %sub3A_285 : i32
        %mul3A_287 = arith.constant 2 : i32
        %mul3A_288 = arith.muli %mul3A_287, %sub3A_286 : i32
        %add3A_289 = arith.addi %mul3A_2, %mul3A_288 : i32
        %dma_start3A_290 = arith.constant 0 : i32
        %dma_start3A_291 = arith.constant 0 : i32
        %dma_start3A_292 = tpu.memref_slice %arg4[%add3A_289, %dma_start3A_290, %dma_start3A_291] : memref<4096x200x128xf32, #tpu.memory_space<hbm>> -> memref<2x200x64xf32, #tpu.memory_space<hbm>>
        %dma_start3A_293 = arith.constant 0 : i32
        %dma_start3A_294 = arith.constant 0 : i32
        %dma_start3A_295 = tpu.memref_slice %arg4[%add3A_289, %dma_start3A_293, %dma_start3A_294] : memref<4096x200x128xf32, #tpu.memory_space<hbm>> -> memref<2x200x64xf32, #tpu.memory_space<hbm>>
        tpu.enqueue_dma source(%arg6 : memref<2x200x64xf32, #tpu.memory_space<vmem>>) target(%dma_start3A_295 : memref<2x200x64xf32, #tpu.memory_space<hbm>>) target_semaphore(%arg10 : memref<!tpu.dma_semaphore, #tpu.memory_space<semaphore_mem>>)
      } else {
      }
    }
    %scan3A_7 = arith.constant 32 : i32
    %dma_wait3A = arith.constant 126 : i32
    %dma_wait3A_8 = arith.constant 0 : i32
    %dma_wait3A_9 = arith.constant 0 : i32
    %dma_wait3A_10 = arith.constant 0 : i32
    %dma_wait3A_11 = tpu.memref_slice %arg7[%dma_wait3A_8, %dma_wait3A_9, %dma_wait3A_10] : memref<2x200x64xf32, #tpu.memory_space<vmem>> -> memref<1x96x64xf32, #tpu.memory_space<vmem>>
    %dma_wait3A_12 = tpu.memref_squeeze %dma_wait3A_11 : memref<1x96x64xf32, #tpu.memory_space<vmem>> -> memref<96x64xf32, #tpu.memory_space<vmem>>
    %dma_wait3A_13 = arith.constant 0 : i32
    %dma_wait3A_14 = tpu.memref_slice %arg5[%dma_wait3A, %dma_wait3A_13] : memref<128x200xi32, #tpu.memory_space<vmem>> -> memref<1x96xi32, #tpu.memory_space<vmem>>
    %dma_wait3A_15 = tpu.memref_squeeze %dma_wait3A_14 : memref<1x96xi32, #tpu.memory_space<vmem>> -> memref<96xi32, #tpu.memory_space<vmem>>
    %dma_wait3A_16 = arith.constant 0 : i32
    %dma_wait3A_17 = arith.constant 0 : i32
    %dma_wait3A_18 = tpu.memref_slice %arg3[%dma_wait3A_16, %dma_wait3A_17] : memref<1998848x64xf32, #tpu.memory_space<hbm>> -> memref<1998848x64xf32, #tpu.memory_space<hbm>>
    tpu.wait_indirect_dma semaphore(%arg9 : memref<!tpu.dma_semaphore, #tpu.memory_space<semaphore_mem>>) src(%dma_wait3A_18 : memref<1998848x64xf32, #tpu.memory_space<hbm>>) dst(%dma_wait3A_12 : memref<96x64xf32, #tpu.memory_space<vmem>>)
    %dma_wait3A_19 = arith.constant 126 : i32
    %dma_wait3A_20 = arith.constant 0 : i32
    %dma_wait3A_21 = arith.constant 96 : i32
    %dma_wait3A_22 = arith.constant 0 : i32
    %dma_wait3A_23 = tpu.memref_slice %arg7[%dma_wait3A_20, %dma_wait3A_21, %dma_wait3A_22] : memref<2x200x64xf32, #tpu.memory_space<vmem>> -> memref<1x104x64xf32, #tpu.memory_space<vmem>>
    %dma_wait3A_24 = tpu.memref_squeeze %dma_wait3A_23 : memref<1x104x64xf32, #tpu.memory_space<vmem>> -> memref<104x64xf32, #tpu.memory_space<vmem>>
    %dma_wait3A_25 = arith.constant 96 : i32
    %dma_wait3A_26 = tpu.memref_slice %arg5[%dma_wait3A_19, %dma_wait3A_25] : memref<128x200xi32, #tpu.memory_space<vmem>> -> memref<1x104xi32, #tpu.memory_space<vmem>>
    %dma_wait3A_27 = tpu.memref_squeeze %dma_wait3A_26 : memref<1x104xi32, #tpu.memory_space<vmem>> -> memref<104xi32, #tpu.memory_space<vmem>>
    %dma_wait3A_28 = arith.constant 0 : i32
    %dma_wait3A_29 = arith.constant 0 : i32
    %dma_wait3A_30 = tpu.memref_slice %arg3[%dma_wait3A_28, %dma_wait3A_29] : memref<1998848x64xf32, #tpu.memory_space<hbm>> -> memref<1998848x64xf32, #tpu.memory_space<hbm>>
    tpu.wait_indirect_dma semaphore(%arg9 : memref<!tpu.dma_semaphore, #tpu.memory_space<semaphore_mem>>) src(%dma_wait3A_30 : memref<1998848x64xf32, #tpu.memory_space<hbm>>) dst(%dma_wait3A_24 : memref<104x64xf32, #tpu.memory_space<vmem>>)
    %dma_wait3A_31 = arith.constant 127 : i32
    %dma_wait3A_32 = arith.constant 1 : i32
    %dma_wait3A_33 = arith.constant 0 : i32
    %dma_wait3A_34 = arith.constant 0 : i32
    %dma_wait3A_35 = tpu.memref_slice %arg7[%dma_wait3A_32, %dma_wait3A_33, %dma_wait3A_34] : memref<2x200x64xf32, #tpu.memory_space<vmem>> -> memref<1x96x64xf32, #tpu.memory_space<vmem>>
    %dma_wait3A_36 = tpu.memref_squeeze %dma_wait3A_35 : memref<1x96x64xf32, #tpu.memory_space<vmem>> -> memref<96x64xf32, #tpu.memory_space<vmem>>
    %dma_wait3A_37 = arith.constant 0 : i32
    %dma_wait3A_38 = tpu.memref_slice %arg5[%dma_wait3A_31, %dma_wait3A_37] : memref<128x200xi32, #tpu.memory_space<vmem>> -> memref<1x96xi32, #tpu.memory_space<vmem>>
    %dma_wait3A_39 = tpu.memref_squeeze %dma_wait3A_38 : memref<1x96xi32, #tpu.memory_space<vmem>> -> memref<96xi32, #tpu.memory_space<vmem>>
    %dma_wait3A_40 = arith.constant 0 : i32
    %dma_wait3A_41 = arith.constant 0 : i32
    %dma_wait3A_42 = tpu.memref_slice %arg3[%dma_wait3A_40, %dma_wait3A_41] : memref<1998848x64xf32, #tpu.memory_space<hbm>> -> memref<1998848x64xf32, #tpu.memory_space<hbm>>
    tpu.wait_indirect_dma semaphore(%arg9 : memref<!tpu.dma_semaphore, #tpu.memory_space<semaphore_mem>>) src(%dma_wait3A_42 : memref<1998848x64xf32, #tpu.memory_space<hbm>>) dst(%dma_wait3A_36 : memref<96x64xf32, #tpu.memory_space<vmem>>)
    %dma_wait3A_43 = arith.constant 127 : i32
    %dma_wait3A_44 = arith.constant 1 : i32
    %dma_wait3A_45 = arith.constant 96 : i32
    %dma_wait3A_46 = arith.constant 0 : i32
    %dma_wait3A_47 = tpu.memref_slice %arg7[%dma_wait3A_44, %dma_wait3A_45, %dma_wait3A_46] : memref<2x200x64xf32, #tpu.memory_space<vmem>> -> memref<1x104x64xf32, #tpu.memory_space<vmem>>
    %dma_wait3A_48 = tpu.memref_squeeze %dma_wait3A_47 : memref<1x104x64xf32, #tpu.memory_space<vmem>> -> memref<104x64xf32, #tpu.memory_space<vmem>>
    %dma_wait3A_49 = arith.constant 96 : i32
    %dma_wait3A_50 = tpu.memref_slice %arg5[%dma_wait3A_43, %dma_wait3A_49] : memref<128x200xi32, #tpu.memory_space<vmem>> -> memref<1x104xi32, #tpu.memory_space<vmem>>
    %dma_wait3A_51 = tpu.memref_squeeze %dma_wait3A_50 : memref<1x104xi32, #tpu.memory_space<vmem>> -> memref<104xi32, #tpu.memory_space<vmem>>
    %dma_wait3A_52 = arith.constant 0 : i32
    %dma_wait3A_53 = arith.constant 0 : i32
    %dma_wait3A_54 = tpu.memref_slice %arg3[%dma_wait3A_52, %dma_wait3A_53] : memref<1998848x64xf32, #tpu.memory_space<hbm>> -> memref<1998848x64xf32, #tpu.memory_space<hbm>>
    tpu.wait_indirect_dma semaphore(%arg9 : memref<!tpu.dma_semaphore, #tpu.memory_space<semaphore_mem>>) src(%dma_wait3A_54 : memref<1998848x64xf32, #tpu.memory_space<hbm>>) dst(%dma_wait3A_48 : memref<104x64xf32, #tpu.memory_space<vmem>>)
    %add3A_55 = arith.constant 126 : i32
    %add3A_56 = arith.addi %mul3A_2, %add3A_55 : i32
    %dma_start3A = arith.constant 0 : i32
    %dma_start3A_57 = arith.constant 0 : i32
    %dma_start3A_58 = tpu.memref_slice %arg4[%add3A_56, %dma_start3A, %dma_start3A_57] : memref<4096x200x128xf32, #tpu.memory_space<hbm>> -> memref<2x200x64xf32, #tpu.memory_space<hbm>>
    %dma_start3A_59 = arith.constant 0 : i32
    %dma_start3A_60 = arith.constant 0 : i32
    %dma_start3A_61 = tpu.memref_slice %arg4[%add3A_56, %dma_start3A_59, %dma_start3A_60] : memref<4096x200x128xf32, #tpu.memory_space<hbm>> -> memref<2x200x64xf32, #tpu.memory_space<hbm>>
    tpu.enqueue_dma source(%arg7 : memref<2x200x64xf32, #tpu.memory_space<vmem>>) target(%dma_start3A_61 : memref<2x200x64xf32, #tpu.memory_space<hbm>>) target_semaphore(%arg11 : memref<!tpu.dma_semaphore, #tpu.memory_space<semaphore_mem>>)
    %add3A_62 = arith.constant 124 : i32
    %add3A_63 = arith.addi %mul3A_2, %add3A_62 : i32
    %dma_wait3A_64 = arith.constant 0 : i32
    %dma_wait3A_65 = arith.constant 0 : i32
    %dma_wait3A_66 = tpu.memref_slice %arg4[%add3A_63, %dma_wait3A_64, %dma_wait3A_65] : memref<4096x200x128xf32, #tpu.memory_space<hbm>> -> memref<2x200x64xf32, #tpu.memory_space<hbm>>
    %dma_wait3A_67 = arith.constant 0 : i32
    %dma_wait3A_68 = arith.constant 0 : i32
    %dma_wait3A_69 = tpu.memref_slice %arg4[%add3A_63, %dma_wait3A_67, %dma_wait3A_68] : memref<4096x200x128xf32, #tpu.memory_space<hbm>> -> memref<2x200x64xf32, #tpu.memory_space<hbm>>
    tpu.wait_dma2 semaphore(%arg10 : memref<!tpu.dma_semaphore, #tpu.memory_space<semaphore_mem>>) src(%arg6 : memref<2x200x64xf32, #tpu.memory_space<vmem>>) dst(%dma_wait3A_69 : memref<2x200x64xf32, #tpu.memory_space<hbm>>)
    %add3A_70 = arith.constant 126 : i32
    %add3A_71 = arith.addi %mul3A_2, %add3A_70 : i32
    %dma_wait3A_72 = arith.constant 0 : i32
    %dma_wait3A_73 = arith.constant 0 : i32
    %dma_wait3A_74 = tpu.memref_slice %arg4[%add3A_71, %dma_wait3A_72, %dma_wait3A_73] : memref<4096x200x128xf32, #tpu.memory_space<hbm>> -> memref<2x200x64xf32, #tpu.memory_space<hbm>>
    %dma_wait3A_75 = arith.constant 0 : i32
    %dma_wait3A_76 = arith.constant 0 : i32
    %dma_wait3A_77 = tpu.memref_slice %arg4[%add3A_71, %dma_wait3A_75, %dma_wait3A_76] : memref<4096x200x128xf32, #tpu.memory_space<hbm>> -> memref<2x200x64xf32, #tpu.memory_space<hbm>>
    tpu.wait_dma2 semaphore(%arg11 : memref<!tpu.dma_semaphore, #tpu.memory_space<semaphore_mem>>) src(%arg7 : memref<2x200x64xf32, #tpu.memory_space<vmem>>) dst(%dma_wait3A_77 : memref<2x200x64xf32, #tpu.memory_space<hbm>>)
    return
  }
}

module attributes {stable_mosaic.version = 14 : i64} {
  func.func @_tp_body(%arg0: i32, %arg1: memref<64x16384xf32, #tpu.memory_space<vmem>>, %arg2: memref<64x576xf32, #tpu.memory_space<vmem>>, %arg3: memref<16384x128xf32, #tpu.memory_space<vmem>>) attributes {dimension_semantics = [#tpu.dimension_semantics<arbitrary>], iteration_bounds = array<i64: 61>, scalar_prefetch = 0 : i64, scratch_operands = 0 : i64, tpu.core_type = #tpu.core_type<tc>, window_params = [{transform_indices = @transform_0, window_bounds = array<i64: 64, 16384>}, {pipeline_mode = #tpu.pipeline_mode<synchronous>, transform_indices = @transform_1, window_bounds = array<i64: 64, 576>}, {transform_indices = @transform_2, window_bounds = array<i64: 16384, 128>}]} {
    %get3A = arith.constant 0 : index
    %get3A_0 = arith.constant 0 : index
    %get3A_1 = vector.load %arg1[%get3A, %get3A_0] : memref<64x16384xf32, #tpu.memory_space<vmem>>, vector<64x16384xf32>
    %transpose3A = tpu.transpose %get3A_1, [1, 0] : vector<64x16384xf32> -> vector<16384x64xf32>
    %swap3A = arith.constant 0 : index
    %swap3A_2 = arith.constant 0 : index
    %swap3A_3 = vector.load %arg3[%swap3A, %swap3A_2] : memref<16384x128xf32, #tpu.memory_space<vmem>>, vector<16384x64xf32>
    tpu.vector_store %arg3[%swap3A, %swap3A_2], %transpose3A {strides = array<i32>} : memref<16384x128xf32, #tpu.memory_space<vmem>>, vector<16384x64xf32>,
    %eq3A = arith.constant 0 : i32
    %eq3A_4 = arith.cmpi eq, %arg0, %eq3A : i32
    %convert_element_type3A = arith.extui %eq3A_4 : i1 to i32
    %cond3A = arith.constant 0 : i32
    %cond3A_5 = arith.cmpi ne, %convert_element_type3A, %cond3A : i32
    scf.if %cond3A_5 {
      %get3A_6 = arith.constant 0 : index
      %get3A_7 = arith.constant 0 : index
      %get3A_8 = vector.load %arg2[%get3A_6, %get3A_7] : memref<64x576xf32, #tpu.memory_space<vmem>>, vector<64x576xf32>
      %transpose3A_9 = tpu.transpose %get3A_8, [1, 0] : vector<64x576xf32> -> vector<576x64xf32>
      %swap3A_10 = arith.constant 0 : index
      %swap3A_11 = arith.constant 64 : index
      %swap3A_12 = vector.load %arg3[%swap3A_10, %swap3A_11] : memref<16384x128xf32, #tpu.memory_space<vmem>>, vector<576x64xf32>
      tpu.vector_store %arg3[%swap3A_10, %swap3A_11], %transpose3A_9 {strides = array<i32>} : memref<16384x128xf32, #tpu.memory_space<vmem>>, vector<576x64xf32>,
    } else {
    }
    return
  }
  func.func @transform_0(%arg0: i32) -> (i32, i32) {
    %c0_i32 = arith.constant 0 : i32
    %c0_i32_0 = arith.constant 0 : i32
    return %c0_i32, %arg0 : i32, i32
  }
  func.func @transform_1(%arg0: i32) -> (i32, i32) {
    %c0_i32 = arith.constant 0 : i32
    %c0_i32_0 = arith.constant 0 : i32
    %c0_i32_1 = arith.constant 0 : i32
    return %c0_i32, %c0_i32_0 : i32, i32
  }
  func.func @transform_2(%arg0: i32) -> (i32, i32) {
    %c0_i32 = arith.constant 0 : i32
    %c0_i32_0 = arith.constant 0 : i32
    return %arg0, %c0_i32 : i32, i32
  }
}

</mosaic_0001>

<sc_bundles>
// kernel: kernel.4.cloned.1.call-start
scs
__scs_entry_jumppad:
0x0: {  	(pc) =	sbr.rel $0x88, $3  }
0x1: {  	(tag) =	ssettag $0x0;
	lr =	simm.s32 $0x1  }
0x2: {  	[smem:$0x3F9F] =	sst lr;
	_ =	strace $0xD0000000  }
0x3: {  	_ = 	snop  }
0x4: {  	_ = 	snop  }
0x5: {  	_ = 	snop  }
0x6: {  	_ = 	snop  }
0x7: {  	_ = 	snop  }
__scs_overlays_trampoline_lowered:
0x8: {  	[smem:$0x3FAE] =	sst s0  }
0x9: {  	[smem:$0x3FAF] =	sst s1  }
0xa: {  	[smem:$0x3FB0] =	sst s2  }
0xb: {  	[smem:$0x3FB1] =	sst s3  }
0xc: {  	[smem:$0x3FB2] =	sst s4  }
0xd: {  	[smem:$0x3FB3] =	sst s5  }
0xe: {  	[smem:$0x3FB4] =	sst s6  }
0xf: {  	[smem:$0x3FB5] =	sst s7  }
0x10: {  	[smem:$0x3FB6] =	sst s8  }
0x11: {  	[smem:$0x3FB7] =	sst s9;
	s0 =	simm.s32 @!p0 $0x0  }
0x12: {  	s1 =	sld [smem:$0x3F9D];
	s0 =	simm.s32 @p0 $0x1  }
0x13: {  	[smem:$0x3FB8] =	sst s0;
	s0 =	simm.s32 @!p1 $0x0  }
0x14: {  	s2 =	sld [smem:$0x3F9C];
	s0 =	simm.s32 @p1 $0x1  }
0x15: {  	[smem:$0x3FB9] =	sst s0;
	s0 =	simm.s32 @!p2 $0x0  }
0x16: {  	s3 =	sld [smem:$0x3FDB];
	s0 =	simm.s32 @p2 $0x1  }
0x17: {  	s4 =	simm.s32 $0x1BF5;
	[smem:$0x3FBB] =	sst s0  }
0x18: {  	s0 =	sld [smem:$0x3F9E];
	_ =	swait.ge [sflag:s4], $0x0  }
0x19: {  	s7 =	sld [smem:$0x3F9F]  }
0x1a: {  	s8 =	sadd.s32 $0xFFFFE003, lr  }
0x1b: {  	s9 =	sadd.s32 $0xFFFFFEF7, lr;
	s5 =	simm.s32 $0xFFFFFFFF;
	p2 =	slt.u32 s8, $0xFFFFF086  }
0x1c: {  	p1 =	slt.u32 s9, $0xF7A;
	s5 =	simm.s32 @!p2 $0x0  }
0x1d: {  	s5 =	simm.s32 @p1 $0x1;
	p0 =	seq.s32 s7, s2  }
0x1e: {  	s7 =	smul.u32 @!p0 $0xF7A, s2;
	p2 =	seq.s32 @!p0 s5, $0x0  }
0x1f: {  	s9 =	smul.u32 $0xF7A, s1;
	s8 =	simm.s32 @!p0 $0x1BF5;
	p2 =	por !p2, p0  }
0x20: {  	[sflag:s8] =	ssyncset.s32 @!p0 $0xFFFFF086;
	s6 =	sadd.s32 @!p0 s3, s7;
	s7 =	simm.s32 @!p0 $0x108  }
0x21: {  	s3 =	sadd.s32 s3, s9;
	s6 =	sadd.s32 @!p0 $0x88, s6;
	s7 =	simm.s32 @p2 $0x1082  }
0x22: {  	[simem:s7], [sflag:s8] =	dma.local @!p0 [hbm:s6], $0xF7A  }
0x23: {  	s9 =	sor.u32 $0xD0000000, s2;
	s6 =	simm.s32 $0x108;
	_ =	swait.ge @!p0 [sflag:s8], $0x0  }
0x24: {  	s3 =	sadd.s32 $0x88, s3;
	s6 =	simm.s32 @!p1 $0x1082;
	[sflag:s4] =	ssyncset.s32 $0xFFFFF086  }
0x25: {  	[simem:s6], [sflag:s4] =	dma.local [hbm:s3], $0xF7A  }
0x26: {  	[smem:$0x3F9F] =	sst s1;
	(tag) =	ssettag s2;
	_ =	strace s9  }
0x27: {  	s1 =	sld [smem:$0x3FAF]  }
0x28: {  	s2 =	sld [smem:$0x3FB0]  }
0x29: {  	s4 =	sld [smem:$0x3FB2]  }
0x2a: {  	p0 =	seq.s32 s5, $0x0;
	s5 =	sld [smem:$0x3FB3]  }
0x2b: {  	s6 =	sld [smem:$0x3FB4]  }
0x2c: {  	s7 =	sld [smem:$0x3FB5]  }
0x2d: {  	s3 =	simm.s32 $0x108;
	s8 =	sld [smem:$0x3FB6]  }
0x2e: {  	s3 =	simm.s32 @!p0 $0x1082;
	s9 =	sld [smem:$0x3FB7]  }
0x2f: {  	lr =	sadd.s32 s0, s3;
	s0 =	sld [smem:$0x3FAE]  }
0x30: {  	s3 =	sld [smem:$0x3FB1]  }
0x31: {  	[smem:$0x3FBA] =	sst s10  }
0x32: {  	s10 =	sld [smem:$0x3FB8];
	_ =	sdelay $0x3  }
0x33: {  	p0 =	seq.s32 s10, $0x1;
	s10 =	sld [smem:$0x3FBA];
	_ =	sdelay $0x3  }
0x34: {  	[smem:$0x3FBA] =	sst s10  }
0x35: {  	s10 =	sld [smem:$0x3FB9];
	_ =	sdelay $0x3  }
0x36: {  	p1 =	seq.s32 s10, $0x1;
	s10 =	sld [smem:$0x3FBA];
	_ =	sdelay $0x3  }
0x37: {  	[smem:$0x3FBA] =	sst s10  }
0x38: {  	s10 =	sld [smem:$0x3FBB]  }
0x39: {  	_ = 	snop;
	(pc) =	sbr.ind lr, $3  }
0x3a: {  	_ = 	snop  }
0x3b: {  	_ = 	snop  }
0x3c: {  	p2 =	seq.s32 s10, $0x1;
	s10 =	sld [smem:$0x3FBA]  }
0x3d: {  	_ =	shalt  }
0x3e: {  	_ =	shalt  }
0x3f: {  	_ =	shalt  }
0x40: {  	_ =	shalt  }
0x41: {  	_ =	shalt  }
0x42: {  	_ =	shalt  }
0x43: {  	_ =	shalt  }
0x44: {  	_ =	shalt  }
0x45: {  	_ =	shalt  }
0x46: {  	_ =	shalt  }
0x47: {  	_ =	shalt  }
0x48: {  	_ =	shalt  }
0x49: {  	_ =	shalt  }
0x4a: {  	_ =	shalt  }
0x4b: {  	_ =	shalt  }
0x4c: {  	_ =	shalt  }
0x4d: {  	_ =	shalt  }
0x4e: {  	_ =	shalt  }
0x4f: {  	_ =	shalt  }
0x50: {  	_ =	shalt  }
0x51: {  	_ =	shalt  }
0x52: {  	_ =	shalt  }
0x53: {  	_ =	shalt  }
0x54: {  	_ =	shalt  }
0x55: {  	_ =	shalt  }
0x56: {  	_ =	shalt  }
0x57: {  	_ =	shalt  }
0x58: {  	_ =	shalt  }
0x59: {  	_ =	shalt  }
0x5a: {  	_ =	shalt  }
0x5b: {  	_ =	shalt  }
0x5c: {  	_ =	shalt  }
0x5d: {  	_ =	shalt  }
0x5e: {  	_ =	shalt  }
0x5f: {  	_ =	shalt  }
0x60: {  	_ =	shalt  }
0x61: {  	_ =	shalt  }
0x62: {  	_ =	shalt  }
0x63: {  	_ =	shalt  }
0x64: {  	_ =	shalt  }
0x65: {  	_ =	shalt  }
0x66: {  	_ =	shalt  }
0x67: {  	_ =	shalt  }
0x68: {  	_ =	shalt  }
0x69: {  	_ =	shalt  }
0x6a: {  	_ =	shalt  }
0x6b: {  	_ =	shalt  }
0x6c: {  	_ =	shalt  }
0x6d: {  	_ =	shalt  }
0x6e: {  	_ =	shalt  }
0x6f: {  	_ =	shalt  }
0x70: {  	_ =	shalt  }
0x71: {  	_ =	shalt  }
0x72: {  	_ =	shalt  }
0x73: {  	_ =	shalt  }
0x74: {  	_ =	shalt  }
0x75: {  	_ =	shalt  }
0x76: {  	_ =	shalt  }
0x77: {  	_ =	shalt  }
0x78: {  	_ =	shalt  }
0x79: {  	_ =	shalt  }
0x7a: {  	_ =	shalt  }
0x7b: {  	_ =	shalt  }
0x7c: {  	_ =	shalt  }
0x7d: {  	_ =	shalt  }
0x7e: {  	_ =	shalt  }
0x7f: {  	_ =	shalt  }
0x80: {  	_ =	shalt  }
0x81: {  	_ =	shalt  }
0x82: {  	_ =	shalt  }
0x83: {  	_ =	shalt  }
0x84: {  	_ =	shalt  }
0x85: {  	_ =	shalt  }
0x86: {  	_ =	shalt  }
0x87: {  	_ =	shalt  }
.Lfunc_end0:
.L_simem_size_0:
called_computation.1_lowered:
.L_overlay_start_0:
0x88: {  	s2 =	sld [smem:$0x3FD9]  }
0x89: {  	s3 =	sld [smem:$0x3FFE];
	_ =	sdelay $0x1  }
0x8a: {  	s1 =	srdreg.scid  }
0x8b: {  	s0 =	sand.u32 $0x1, s1  }
0x8c: {  	s17 =	sshll.u32 s0, $0xA;
	s2 =	sadd.s32 s3, s2  }
0x8d: {  	s2 =	sadd.s32 s2, s17  }
0x8e: {  	[smem:$0x3FC6] =	sst s2  }
0x8f: {  	_ = 	snop  }
0x90: {  	s2 =	sld [smem:$0x3FD0];
	(tm) =	ssettm $0x1  }
0x91: {  	s18 =	sld [smem:$0x3FFB];
	_ =	sdelay $0x3  }
0x92: {  	_ =	strace s18  }
0x93: {  	s3 =	sld [smem:$0x3FFC];
	_ =	sdelay $0x3  }
0x94: {  	_ =	strace s3  }
0x95: {  	s3 =	sld [smem:$0x3FFD];
	_ =	sdelay $0x3  }
0x96: {  	_ =	strace s3  }
0x97: {  	_ =	strace $0x8FFFFFFF  }
0x98: {  	s19 =	sld [smem:$0x3FDB];
	_ =	sdelay $0x1  }
0x99: {  	s4 =	simm.s32 $_scs_section_size  }
0x9a: {  	s5 =	simm.s32 $_size__tile_overlayer_lowered;
	s6 =	simm.s32 $_tile_overlayer_lowered  }
0x9b: {  	s22 =	simm.s32 $0x1BFF;
	s21 =	sshll.u32 s6, $0x1;
	s3 =	sadd.s32 s4, s19  }
0x9c: {  	s7 =	simm.s32 $0x0;
	s20 =	sshll.u32 s5, $0x1;
	s5 =	sadd.s32 s21, s3  }
0x9d: {  	[timem:s7], [sflag:s22] =	dma.local [hbm:s5], s20  }
0x9e: {  	_ =	swait.ge [sflag:s22], s20  }
0x9f: {  	s4 =	ssub.s32 $0x0, s20;
	[sflag:s22] =	ssyncset.done $0x0  }
0xa0: {  	[sflag:s22] =	ssyncadd.s32 s4;
	_ =	sdelay $0x1  }
0xa1: {  	s23 =	simm.s32 $0x1B8B  }
0xa2: {  	_ =	swait.ge [sflag:s23], $0x1  }
0xa3: {  	[sflag:s23] =	ssyncset.done $0x0  }
0xa4: {  	s25 =	simm.s32 $0x1B8E;
	s24 =	sld [smem:$0x3FFE];
	[sflag:s23] =	ssyncadd.s32 $0xFFFFFFFF  }
0xa5: {  	s26 =	simm.s32 $execute0_lowered;
	[smem:$0x3FD2] =	sst s25  }
0xa6: {  	s5 =	sshll.u32 s26, $0x1;
	_ =	strace $0x80000046;
	[dreg:$0x1] =	wrdreg $0xFFFFFFFF  }
0xa7: {  	s28 =	simm.s32 $_size_execute0_lowered;
	s3 =	sadd.s32 s3, s5;
	[dreg:$0x0] =	wrdreg $0x0  }
0xa8: {  	s5 =	sshll.u32 s28, $0x1;
	[dreg:$0x2] =	wrdreg s3  }
0xa9: {  	[dreg:$0x3] =	wrdreg s5  }
0xaa: {  	[dreg:$0x4] =	wrdreg $0xC0  }
0xab: {  	_ =	task [dreg:s7], $0x5FFFF  }
0xac: {  	[dreg:$0x1] =	wrdreg $0xFFFFFFFF  }
0xad: {  	[dreg:$0x0] =	wrdreg $0x60  }
0xae: {  	[dreg:$0x2] =	wrdreg s2  }
0xaf: {  	[dreg:$0x3] =	wrdreg s24  }
0xb0: {  	[dreg:$0x4] =	wrdreg $0x9  }
0xb1: {  	_ =	task.clear_ibuf [dreg:s7], $0x5FFFF;
	_ =	strace $0x90000046  }
0xb2: {  	s29 =	simm.s32 $0x9;
	_ =	strace $0x80000048  }
0xb3: {  	_ =	swait.ge [sflag:s29], $0x1  }
0xb4: {  	[sflag:s29] =	ssyncadd.s32 $0xFFFFFFFF  }
0xb5: {  	_ =	strace $0x90000048  }
0xb6: {  	_ =	sfence  }
0xb7: {  	s30 =	sld [smem:$0x0];
	_ =	sdelay $0x2  }
0xb8: {  	s31 =	sshll.u32 s1, $0xD;
	s1 =	sshrl.u32 s1, $0x2  }
0xb9: {  	s3 =	sand.u32 $0x4000, s31;
	s1 =	sadd.s32 s1, s30  }
0xba: {  	s0 =	sor.u32 s3, s0;
	s1 =	sshll.u32 s1, $0x11  }
0xbb: {  	s0 =	sor.u32 s1, s0  }
0xbc: {  	s0 =	sadd.s32 $0x8F2B, s0  }
0xbd: {  	[sflag:s0] =	ssyncadd.remote.s32 $0x1  }
0xbe: {  	_ =	sfence.sel $0xFFFF  }
0xbf: {  	[dreg:$0x0] =	wrdreg $0xFFFFFFFF;
	(pc) =	sbr.abs _section_cstart, $3  }
0xc0: {  	[dreg:$0x1] =	wrdreg $0xFFFFFFFF  }
0xc1: {  	_ =	task.clear_ibuf [dreg:s7], $0x2FFFF;
	_ =	strace $0x9FFFFFFF  }
0xc2: {  	(tm) =	ssettm $0x7FFFFFFF  }
0xc3: {  	_ =	shalt  }
tec
execute0_lowered:
.L_overlay_start_1:
0x0: {  	(tag) =	ssettag $0x1  }
0x1: {  	s0 =	rddreg [dreg:$0x0]  }
0x2: {  	s1 =	rddreg [dreg:$0x1]  }
0x3: {  	s2 =	srdreg.scid;
	s10 =	stileid.u32  }
0x4: {  	s12 =	simm.s32 $0x68;
	s13 =	simm.s32 $0x7C00;
	s15 =	simm.s32 $0x9600  }
0x5: {  	s17 =	simm.s32 $0xAE00;
	s19 =	simm.s32 $0xC800;
	s21 =	simm.s32 $0xE000  }
0x6: {  	s23 =	simm.s32 $0xFA00;
	s24 =	simm.s32 $0x2B8;
	s28 =	simm.s32 $0x40  }
0x7: {  	s29 =	simm.s32 $0x80;
	s30 =	simm.s32 $0x3;
	s31 =	simm.s32 $0x2  }
0x8: {  	s4 =	sand.u32 $0x1, s2;
	s2 =	simm.s32 $0x0;
	s3 =	sshll.u32 s10, $0x8  }
0x9: {  	s10 =	smul.u32 $0xC8000, s10;
	s5 =	sshll.u32 s4, $0x7;
	[smem:$0x7FF] =	sst s2  }
0xa: {  	s7 =	ssub.s32 $0x2, s4;
	s25 =	smul.u32 $0x64000, s4;
	s5 =	sor.u32 s5, s3  }
0xb: {  	_ =	strace $0x80000047;
	s3 =	sadd.s32 $0x800, s1;
	s6 =	smul.u32 $0x19, s5  }
0xc: {  	s1 =	sadd.s32 $0xF40800, s1;
	s9 =	sshrl.u32 s7, $0x1;
	s8 =	smul.u32 $0x6400, s5  }
0xd: {  	s7 =	ssub.s32 s7, s9;
	s11 =	smul.u32 $0xC80, s5;
	s10 =	sadd.s32 s10, s1  }
0xe: {  	s9 =	simm.s32 $0x5;
	s26 =	sadd.s32 s25, s10;
	s10 =	simm.s32 $0x60  }
0xf: {  	s25 =	simm.s32 $0x11200;
	s8 =	sshrl.u32 s8, $0x3;
	s4 =	sadd.s32 s0, s6  }
0x10: {  	s6 =	smax.u32 s7, $0x1;
	s7 =	sadd.s32 s1, s11;
	s18 =	sadd.s32 $0x3200, s26  }
0x11: {  	s11 =	simm.s32 $0x6400;
	s26 =	simm.s32 $0x1;
	s8 =	sadd.s32 s1, s8  }
0x12: {  	s0 =	simm.s32 $0x4;
	s1 =	simm.s32 $0x0;
	s5 =	sadd.s32 $0x62700, s8  }
.LBB2_1:
0x13: {  	[tilespmem:s2], [sflag:$0x5] =	stream.linear.gather [hbm4b:s4+s2], $0x6400, $0x38;
	[tilespmem:$0x12C00] =	vst v63  }
0x14: {  	_ =	swait.ge [sflag:s9], $0x6400  }
0x15: {  	[sflag:s9] =	ssyncset.done $0x0  }
0x16: {  	[sflag:s9] =	ssyncadd.s32 $0xFFFF9C00  }
0x17: {  	[tilespmem:s11], [sflag:$0x1] =	stream.indirect.gather [hbm4b:s3+s10], $0x40, s2, s10, $0xb8;
	[tilespmem:$0x12C00] =	vst v63  }
0x18: {  	_ = 	snop  }
0x19: {  	[tilespmem:s13], [sflag:$0x1] =	stream.indirect.gather [hbm4b:s3+s12], $0x40, s10, s12, $0xb8;
	[tilespmem:$0x12C00] =	vst v63  }
0x1a: {  	s8 =	simm.s32 $0xC8  }
0x1b: {  	[tilespmem:s15], [sflag:$0x1] =	stream.indirect.gather [hbm4b:s3+s10], $0x40, s8, s10, $0xb8;
	[tilespmem:$0x12C00] =	vst v63  }
0x1c: {  	s22 =	simm.s32 $0x128  }
0x1d: {  	[tilespmem:s17], [sflag:$0x1] =	stream.indirect.gather [hbm4b:s3+s12], $0x40, s22, s12, $0xb8;
	[tilespmem:$0x12C00] =	vst v63  }
0x1e: {  	s14 =	simm.s32 $0x190  }
0x1f: {  	[tilespmem:s19], [sflag:$0x2] =	stream.indirect.gather [hbm4b:s3+s10], $0x40, s14, s10, $0xb8;
	[tilespmem:$0x12C00] =	vst v63  }
0x20: {  	s16 =	simm.s32 $0x1F0  }
0x21: {  	[tilespmem:s21], [sflag:$0x2] =	stream.indirect.gather [hbm4b:s3+s12], $0x40, s16, s12, $0xb8;
	[tilespmem:$0x12C00] =	vst v63  }
0x22: {  	s20 =	simm.s32 $0x258  }
0x23: {  	[tilespmem:s23], [sflag:$0x2] =	stream.indirect.gather [hbm4b:s3+s10], $0x40, s20, s10, $0xb8;
	[tilespmem:$0x12C00] =	vst v63  }
0x24: {  	_ = 	snop  }
0x25: {  	[tilespmem:s25], [sflag:$0x2] =	stream.indirect.gather [hbm4b:s3+s12], $0x40, s24, s12, $0xb8;
	[tilespmem:$0x12C00] =	vst v63  }
0x26: {  	_ =	swait.ge [sflag:s26], $0x1800  }
0x27: {  	[sflag:s26] =	ssyncset.done $0x0  }
0x28: {  	[sflag:s26] =	ssyncadd.s32 $0xFFFFE800  }
0x29: {  	_ =	swait.ge [sflag:s26], $0x1A00  }
0x2a: {  	[sflag:s26] =	ssyncset.done $0x0  }
0x2b: {  	[sflag:s26] =	ssyncadd.s32 $0xFFFFE600  }
0x2c: {  	_ =	swait.ge [sflag:s26], $0x1800  }
0x2d: {  	[sflag:s26] =	ssyncset.done $0x0  }
0x2e: {  	[sflag:s26] =	ssyncadd.s32 $0xFFFFE800  }
0x2f: {  	_ =	swait.ge [sflag:s26], $0x1A00  }
0x30: {  	[sflag:s26] =	ssyncset.done $0x0  }
0x31: {  	[sflag:s26] =	ssyncadd.s32 $0xFFFFE600  }
0x32: {  	[hbm4b:s7+s28] =	stream.strided.scatter [tilespmem:s11], [sflag:$0x3], $0x6400, s29, s28, $0x38;
	[tilespmem:$0x12C00] =	vst v63  }
0x33: {  	_ =	swait.ge [sflag:s30], $0x6400  }
0x34: {  	[sflag:s30] =	ssyncset.done $0x0  }
0x35: {  	s22 =	simm.s32 $0x320;
	[sflag:s30] =	ssyncadd.s32 $0xFFFF9C00  }
0x36: {  	[tilespmem:s11], [sflag:$0x1] =	stream.indirect.gather [hbm4b:s3+s10], $0x40, s22, s10, $0xb8;
	[tilespmem:$0x12C00] =	vst v63  }
0x37: {  	s14 =	simm.s32 $0x380  }
0x38: {  	[tilespmem:s13], [sflag:$0x1] =	stream.indirect.gather [hbm4b:s3+s12], $0x40, s14, s12, $0xb8;
	[tilespmem:$0x12C00] =	vst v63  }
0x39: {  	s16 =	simm.s32 $0x3E8  }
0x3a: {  	[tilespmem:s15], [sflag:$0x1] =	stream.indirect.gather [hbm4b:s3+s10], $0x40, s16, s10, $0xb8;
	[tilespmem:$0x12C00] =	vst v63  }
0x3b: {  	s20 =	simm.s32 $0x448  }
0x3c: {  	[tilespmem:s17], [sflag:$0x1] =	stream.indirect.gather [hbm4b:s3+s12], $0x40, s20, s12, $0xb8;
	[tilespmem:$0x12C00] =	vst v63  }
0x3d: {  	_ =	swait.ge [sflag:s31], $0x1800  }
0x3e: {  	[sflag:s31] =	ssyncset.done $0x0  }
0x3f: {  	[sflag:s31] =	ssyncadd.s32 $0xFFFFE800  }
0x40: {  	_ =	swait.ge [sflag:s31], $0x1A00  }
0x41: {  	[sflag:s31] =	ssyncset.done $0x0  }
0x42: {  	[sflag:s31] =	ssyncadd.s32 $0xFFFFE600  }
0x43: {  	_ =	swait.ge [sflag:s31], $0x1800  }
0x44: {  	[sflag:s31] =	ssyncset.done $0x0  }
0x45: {  	[sflag:s31] =	ssyncadd.s32 $0xFFFFE800  }
0x46: {  	_ =	swait.ge [sflag:s31], $0x1A00  }
0x47: {  	[sflag:s31] =	ssyncset.done $0x0  }
0x48: {  	s22 =	sadd.s32 $0xFFFFE700, s18;
	[sflag:s31] =	ssyncadd.s32 $0xFFFFE600  }
0x49: {  	[hbm4b:s22+s28] =	stream.strided.scatter [tilespmem:s19], [sflag:$0x4], $0x6400, s29, s28, $0x38;
	[tilespmem:$0x12C00] =	vst v63  }
0x4a: {  	_ =	swait.ge [sflag:s0], $0x6400  }
0x4b: {  	[sflag:s0] =	ssyncset.done $0x0  }
0x4c: {  	s14 =	simm.s32 $0x4B0;
	[sflag:s0] =	ssyncadd.s32 $0xFFFF9C00  }
0x4d: {  	[tilespmem:s19], [sflag:$0x2] =	stream.indirect.gather [hbm4b:s3+s10], $0x40, s14, s10, $0xb8;
	[tilespmem:$0x12C00] =	vst v63  }
0x4e: {  	s16 =	simm.s32 $0x510  }
0x4f: {  	[tilespmem:s21], [sflag:$0x2] =	stream.indirect.gather [hbm4b:s3+s12], $0x40, s16, s12, $0xb8;
	[tilespmem:$0x12C00] =	vst v63  }
0x50: {  	s20 =	simm.s32 $0x578  }
0x51: {  	[tilespmem:s23], [sflag:$0x2] =	stream.indirect.gather [hbm4b:s3+s10], $0x40, s20, s10, $0xb8;
	[tilespmem:$0x12C00] =	vst v63  }
0x52: {  	s22 =	simm.s32 $0x5D8  }
0x53: {  	[tilespmem:s25], [sflag:$0x2] =	stream.indirect.gather [hbm4b:s3+s12], $0x40, s22, s12, $0xb8;
	[tilespmem:$0x12C00] =	vst v63  }
0x54: {  	_ =	swait.ge [sflag:s26], $0x1800  }
0x55: {  	[sflag:s26] =	ssyncset.done $0x0  }
0x56: {  	[sflag:s26] =	ssyncadd.s32 $0xFFFFE800  }
0x57: {  	_ =	swait.ge [sflag:s26], $0x1A00  }
0x58: {  	[sflag:s26] =	ssyncset.done $0x0  }
0x59: {  	[sflag:s26] =	ssyncadd.s32 $0xFFFFE600  }
0x5a: {  	_ =	swait.ge [sflag:s26], $0x1800  }
0x5b: {  	[sflag:s26] =	ssyncset.done $0x0  }
0x5c: {  	[sflag:s26] =	ssyncadd.s32 $0xFFFFE800  }
0x5d: {  	_ =	swait.ge [sflag:s26], $0x1A00  }
0x5e: {  	s8 =	smov.u32 s18;
	[sflag:s26] =	ssyncset.done $0x0  }
0x5f: {  	s14 =	simm.s32 $0xC80;
	s16 =	sadd.s32 $0x3200, s18;
	[sflag:s26] =	ssyncadd.s32 $0xFFFFE600  }
.LBB2_2:
0x60: {  	[hbm4b:s8+s28] =	stream.strided.scatter [tilespmem:s11], [sflag:$0x3], $0x6400, s29, s28, $0x38;
	[tilespmem:$0x12C00] =	vst v63  }
0x61: {  	s20 =	smov.u32 s14;
	s8 =	smov.u32 s16  }
0x62: {  	p0 =	sne.s32 s14, $0x17700;
	s14 =	sadd.s32 $0xC80, s14;
	_ =	swait.ge [sflag:s30], $0x6400  }
0x63: {  	s20 =	sshra.s32 s20, $0x2;
	[sflag:s30] =	ssyncset.done $0x0  }
0x64: {  	s22 =	sadd.s32 $0x320, s20;
	[sflag:s30] =	ssyncadd.s32 $0xFFFF9C00  }
0x65: {  	[tilespmem:s11], [sflag:$0x1] =	stream.indirect.gather [hbm4b:s3+s10], $0x40, s22, s10, $0xb8;
	[tilespmem:$0x12C00] =	vst v63  }
0x66: {  	s22 =	sadd.s32 $0x380, s20  }
0x67: {  	[tilespmem:s13], [sflag:$0x1] =	stream.indirect.gather [hbm4b:s3+s12], $0x40, s22, s12, $0xb8;
	[tilespmem:$0x12C00] =	vst v63  }
0x68: {  	s22 =	sadd.s32 $0x3E8, s20  }
0x69: {  	[tilespmem:s15], [sflag:$0x1] =	stream.indirect.gather [hbm4b:s3+s10], $0x40, s22, s10, $0xb8;
	[tilespmem:$0x12C00] =	vst v63  }
0x6a: {  	s22 =	sadd.s32 $0x448, s20  }
0x6b: {  	[tilespmem:s17], [sflag:$0x1] =	stream.indirect.gather [hbm4b:s3+s12], $0x40, s22, s12, $0xb8;
	[tilespmem:$0x12C00] =	vst v63  }
0x6c: {  	_ =	swait.ge [sflag:s31], $0x1800  }
0x6d: {  	[sflag:s31] =	ssyncset.done $0x0  }
0x6e: {  	[sflag:s31] =	ssyncadd.s32 $0xFFFFE800  }
0x6f: {  	_ =	swait.ge [sflag:s31], $0x1A00  }
0x70: {  	[sflag:s31] =	ssyncset.done $0x0  }
0x71: {  	[sflag:s31] =	ssyncadd.s32 $0xFFFFE600  }
0x72: {  	_ =	swait.ge [sflag:s31], $0x1800  }
0x73: {  	[sflag:s31] =	ssyncset.done $0x0  }
0x74: {  	[sflag:s31] =	ssyncadd.s32 $0xFFFFE800  }
0x75: {  	_ =	swait.ge [sflag:s31], $0x1A00  }
0x76: {  	[sflag:s31] =	ssyncset.done $0x0  }
0x77: {  	s22 =	sadd.s32 $0xFFFFE700, s16;
	[sflag:s31] =	ssyncadd.s32 $0xFFFFE600  }
0x78: {  	[hbm4b:s22+s28] =	stream.strided.scatter [tilespmem:s19], [sflag:$0x4], $0x6400, s29, s28, $0x38;
	[tilespmem:$0x12C00] =	vst v63  }
0x79: {  	_ =	swait.ge [sflag:s0], $0x6400  }
0x7a: {  	[sflag:s0] =	ssyncset.done $0x0  }
0x7b: {  	s22 =	sadd.s32 $0x4B0, s20;
	[sflag:s0] =	ssyncadd.s32 $0xFFFF9C00  }
0x7c: {  	[tilespmem:s19], [sflag:$0x2] =	stream.indirect.gather [hbm4b:s3+s10], $0x40, s22, s10, $0xb8;
	[tilespmem:$0x12C00] =	vst v63  }
0x7d: {  	s22 =	sadd.s32 $0x510, s20  }
0x7e: {  	[tilespmem:s21], [sflag:$0x2] =	stream.indirect.gather [hbm4b:s3+s12], $0x40, s22, s12, $0xb8;
	[tilespmem:$0x12C00] =	vst v63  }
0x7f: {  	s22 =	sadd.s32 $0x578, s20  }
0x80: {  	[tilespmem:s23], [sflag:$0x2] =	stream.indirect.gather [hbm4b:s3+s10], $0x40, s22, s10, $0xb8;
	[tilespmem:$0x12C00] =	vst v63  }
0x81: {  	s20 =	sadd.s32 $0x5D8, s20  }
0x82: {  	[tilespmem:s25], [sflag:$0x2] =	stream.indirect.gather [hbm4b:s3+s12], $0x40, s20, s12, $0xb8;
	[tilespmem:$0x12C00] =	vst v63  }
0x83: {  	_ =	swait.ge [sflag:s26], $0x1800  }
0x84: {  	[sflag:s26] =	ssyncset.done $0x0  }
0x85: {  	[sflag:s26] =	ssyncadd.s32 $0xFFFFE800  }
0x86: {  	_ =	swait.ge [sflag:s26], $0x1A00  }
0x87: {  	[sflag:s26] =	ssyncset.done $0x0  }
0x88: {  	[sflag:s26] =	ssyncadd.s32 $0xFFFFE600  }
0x89: {  	_ =	swait.ge [sflag:s26], $0x1800  }
.Ltmp0:
0x8a: {  	[sflag:s26] =	ssyncset.done $0x0;
	(pc) =	sbr.rel @p0 .LBB2_2-.Ltmp0, $4  }
0x8b: {  	[sflag:s26] =	ssyncadd.s32 $0xFFFFE800  }
0x8c: {  	_ =	swait.ge [sflag:s26], $0x1A00  }
0x8d: {  	[sflag:s26] =	ssyncset.done $0x0  }
0x8e: {  	s16 =	sadd.s32 $0x3200, s16;
	[sflag:s26] =	ssyncadd.s32 $0xFFFFE600  }
0x8f: {  	[hbm4b:s8+s28] =	stream.strided.scatter [tilespmem:s11], [sflag:$0x3], $0x6400, s29, s28, $0x38;
	[tilespmem:$0x12C00] =	vst v63  }
0x90: {  	_ =	swait.ge [sflag:s31], $0x1800  }
0x91: {  	[sflag:s31] =	ssyncset.done $0x0  }
0x92: {  	[sflag:s31] =	ssyncadd.s32 $0xFFFFE800  }
0x93: {  	_ =	swait.ge [sflag:s31], $0x1A00  }
0x94: {  	[sflag:s31] =	ssyncset.done $0x0  }
0x95: {  	[sflag:s31] =	ssyncadd.s32 $0xFFFFE600  }
0x96: {  	_ =	swait.ge [sflag:s31], $0x1800  }
0x97: {  	[sflag:s31] =	ssyncset.done $0x0  }
0x98: {  	[sflag:s31] =	ssyncadd.s32 $0xFFFFE800  }
0x99: {  	_ =	swait.ge [sflag:s31], $0x1A00  }
0x9a: {  	[sflag:s31] =	ssyncset.done $0x0  }
0x9b: {  	s1 =	sadd.s32 $0x1, s1;
	[sflag:s31] =	ssyncadd.s32 $0xFFFFE600  }
0x9c: {  	[hbm4b:s5+s28] =	stream.strided.scatter [tilespmem:s19], [sflag:$0x4], $0x6400, s29, s28, $0x38;
	[tilespmem:$0x12C00] =	vst v63  }
0x9d: {  	p0 =	sne.s32 s1, s6;
	_ =	swait.ge [sflag:s30], $0x6400  }
.Ltmp1:
0x9e: {  	[sflag:s30] =	ssyncset.done $0x0;
	(pc) =	sbr.rel @p0 .LBB2_1-.Ltmp1, $4  }
0x9f: {  	[sflag:s30] =	ssyncadd.s32 $0xFFFF9C00  }
0xa0: {  	_ =	swait.ge [sflag:s0], $0x6400  }
0xa1: {  	[sflag:s0] =	ssyncset.done $0x0  }
0xa2: {  	[sflag:s0] =	ssyncadd.s32 $0xFFFF9C00  }
0xa3: {  	_ =	sfence.sel $0x180000  }
0xa4: {  	[bflag:$0x0] =	sbarrier.arrive $0xFFFF  }
0xa5: {  	_ =	strace $0x90000047  }
0xa6: {  	s0 =	stileid.u32;
	[bflag:$0x2] =	sbarrier.arrive $0xFFFF  }
0xa7: {  	p0 =	sne.s32 s0, $0x0;
	s0 =	rddreg [dreg:$0x2]  }
0xa8: {  	s0 =	sadd.s32 @!p0 $0x100000, s0  }
0xa9: {  	[sflag:s0] =	ssyncadd.tile.s32 @!p0 $0x1;
	_ =	shalt  }
.Lfunc_end2:
_tile_overlayer_lowered:
.L_overlay_start_2:
0xaa: {  	(tag) =	ssettag $0x2  }
0xab: {  	s0 =	rddreg [dreg:$0x0];
	s2 =	stileid.u32  }
0xac: {  	s1 =	rddreg [dreg:$0x1];
	p0 =	sne.s32 s2, $0x0  }
0xad: {  	s3 =	rddreg [dreg:$0x2];
	[bflag:$0x3] =	sbarrier.arrive $0xFFFF;
	s2 =	simm.s32 @!p0 $0x1C05  }
0xae: {  	[timem:s3], [sflag:s2] =	dma.local @!p0 [hbm:s0], s1  }
0xaf: {  	s0 =	simm.s32 @!p0 $0x5  }
0xb0: {  	_ =	swait.ge @!p0 [sflag:s0], s1  }
0xb1: {  	s1 =	ssub.s32 @!p0 $0x0, s1;
	[sflag:s0] =	ssyncset.done @!p0 $0x0  }
0xb2: {  	[sflag:s0] =	ssyncadd.s32 @!p0 s1  }
0xb3: {  	[bflag:$0x3] =	sbarrier.arrive $0xFFFF  }
0xb4: {  	_ =	shalt  }

// kernel: sparse-core-data-format-call.cloned.1.call-start
scs
called_computation_lowered:
.L_overlay_start_0:
0x0: {  	s2 =	sld [smem:$0x3FD9]  }
0x1: {  	s3 =	sld [smem:$0x3FFE];
	_ =	sdelay $0x1  }
0x2: {  	s1 =	srdreg.scid  }
0x3: {  	s0 =	sand.u32 $0x1, s1  }
0x4: {  	s18 =	sshll.u32 s0, $0xA;
	s2 =	sadd.s32 s3, s2  }
0x5: {  	s2 =	sadd.s32 s2, s18  }
0x6: {  	[smem:$0x3FC6] =	sst s2  }
0x7: {  	_ = 	snop  }
0x8: {  	s2 =	sld [smem:$0x3FD0];
	(tm) =	ssettm $0x1  }
0x9: {  	s19 =	sld [smem:$0x3FFB];
	_ =	sdelay $0x3  }
0xa: {  	_ =	strace s19  }
0xb: {  	s3 =	sld [smem:$0x3FFC];
	_ =	sdelay $0x3  }
0xc: {  	_ =	strace s3  }
0xd: {  	s3 =	sld [smem:$0x3FFD];
	_ =	sdelay $0x3  }
0xe: {  	_ =	strace s3  }
0xf: {  	_ =	strace $0x8FFFFFFF  }
0x10: {  	s20 =	sld [smem:$0x3FDB];
	_ =	sdelay $0x1  }
0x11: {  	s4 =	simm.s32 $_scs_section_size  }
0x12: {  	s5 =	simm.s32 $_size__tile_overlayer_lowered;
	s6 =	simm.s32 $_tile_overlayer_lowered  }
0x13: {  	s23 =	simm.s32 $0x1BFF;
	s22 =	sshll.u32 s6, $0x1;
	s3 =	sadd.s32 s4, s20  }
0x14: {  	s7 =	simm.s32 $0x0;
	s21 =	sshll.u32 s5, $0x1;
	s5 =	sadd.s32 s22, s3  }
0x15: {  	[timem:s7], [sflag:s23] =	dma.local [hbm:s5], s21  }
0x16: {  	_ =	swait.ge [sflag:s23], s21  }
0x17: {  	s4 =	ssub.s32 $0x0, s21;
	[sflag:s23] =	ssyncset.done $0x0  }
0x18: {  	[sflag:s23] =	ssyncadd.s32 s4;
	_ =	sdelay $0x1  }
0x19: {  	s24 =	simm.s32 $0x1B8B  }
0x1a: {  	_ =	swait.ge [sflag:s24], $0x1  }
0x1b: {  	[sflag:s24] =	ssyncset.done $0x0  }
0x1c: {  	s26 =	simm.s32 $0x1B8E;
	s25 =	sld [smem:$0x3FFE];
	[sflag:s24] =	ssyncadd.s32 $0xFFFFFFFF  }
0x1d: {  	s27 =	simm.s32 $execute0_lowered;
	[smem:$0x3FD2] =	sst s26  }
0x1e: {  	s5 =	sshll.u32 s27, $0x1;
	_ =	strace $0x80000049;
	[dreg:$0x1] =	wrdreg $0xFFFFFFFF  }
0x1f: {  	s28 =	simm.s32 $_size_execute0_lowered;
	s3 =	sadd.s32 s3, s5;
	[dreg:$0x0] =	wrdreg $0x0  }
0x20: {  	s5 =	sshll.u32 s28, $0x1;
	[dreg:$0x2] =	wrdreg s3  }
0x21: {  	[dreg:$0x3] =	wrdreg s5  }
0x22: {  	[dreg:$0x4] =	wrdreg $0xC0  }
0x23: {  	_ =	task [dreg:s7], $0x5FFFF  }
0x24: {  	[dreg:$0x1] =	wrdreg $0xFFFFFFFF  }
0x25: {  	[dreg:$0x0] =	wrdreg $0x60  }
0x26: {  	[dreg:$0x2] =	wrdreg s25  }
0x27: {  	[dreg:$0x3] =	wrdreg s2  }
0x28: {  	[dreg:$0x4] =	wrdreg $0x9  }
0x29: {  	_ =	task.clear_ibuf [dreg:s7], $0x5FFFF;
	_ =	strace $0x90000049  }
0x2a: {  	s29 =	simm.s32 $0x9;
	_ =	strace $0x8000004B  }
0x2b: {  	_ =	swait.ge [sflag:s29], $0x1  }
0x2c: {  	[sflag:s29] =	ssyncadd.s32 $0xFFFFFFFF  }
0x2d: {  	_ =	strace $0x9000004B  }
0x2e: {  	_ =	sfence  }
0x2f: {  	s30 =	sld [smem:$0x0];
	_ =	sdelay $0x2  }
0x30: {  	s31 =	sshll.u32 s1, $0xD;
	s1 =	sshrl.u32 s1, $0x2  }
0x31: {  	s3 =	sand.u32 $0x4000, s31;
	s1 =	sadd.s32 s1, s30  }
0x32: {  	s0 =	sor.u32 s3, s0;
	s1 =	sshll.u32 s1, $0x11  }
0x33: {  	s0 =	sor.u32 s1, s0  }
0x34: {  	s0 =	sadd.s32 $0x8F2B, s0  }
0x35: {  	[sflag:s0] =	ssyncadd.remote.s32 $0x1  }
0x36: {  	_ =	sfence.sel $0xFFFF  }
0x37: {  	[dreg:$0x0] =	wrdreg $0xFFFFFFFF;
	(pc) =	sbr.abs _section_cstart, $3  }
0x38: {  	[dreg:$0x1] =	wrdreg $0xFFFFFFFF  }
0x39: {  	_ =	task.clear_ibuf [dreg:s7], $0x2FFFF;
	_ =	strace $0x9FFFFFFF  }
0x3a: {  	(tm) =	ssettm $0x7FFFFFFF  }
0x3b: {  	_ =	shalt  }
tec
execute0_lowered:
.L_overlay_start_1:
0x0: {  	(tag) =	ssettag $0x1  }
0x1: {  	s0 =	srdreg.scid  }
0x2: {  	s1 =	sshll.u32 s0, $0x4  }
0x3: {  	s0 =	stileid.u32;
	s1 =	sand.u32 $0x10, s1  }
0x4: {  	s1 =	sor.u32 s0, s1  }
0x5: {  	s6 =	rddreg [dreg:$0x0];
	s4 =	simm.s32 $0x1;
	s2 =	sshll.u32 s1, $0x7  }
0x6: {  	s7 =	simm.s32 $0x2;
	s12 =	simm.s32 $0x0;
	s1 =	ssub.s32 $0x1000, s2  }
0x7: {  	s8 =	simm.s32 $0x8000;
	s13 =	simm.s32 $0x0;
	s3 =	sand.u32 $0xF80, s1  }
0x8: {  	s9 =	simm.s32 $0x0;
	s5 =	sshrl.u32 s1, $0xC;
	p0 =	sne.s32 s3, $0x0  }
.Ltmp0:
0x9: {  	s1 =	rddreg [dreg:$0x2];
	s4 =	simm.s32 @!p0 $0x0;
	(pc) =	sbr.rel .LBB1_1-.Ltmp0, $4  }
0xa: {  	s11 =	simm.s32 $0x0;
	s3 =	rddreg [dreg:$0x1];
	s5 =	sadd.s32 s4, s5  }
0xb: {  	_ =	strace $0x8000004A;
	s4 =	simm.s32 $0x1;
	s5 =	smul.u32 $0xC8, s5  }
0xc: {  	s6 =	sadd.s32 $0xF40800, s6;
	s10 =	smov.u32 s2;
	[sflag:s4] =	ssyncpa.u1 $0x0  }
0xd: {  	p0 =	por $0x0, $0x0;
	[sflag:s7] =	ssyncpa.u1 $0x0;
	s7 =	sor.u32 $0x1, s5  }
.LBB1_4:
0xe: {  	s16 =	sshll.u32 s13, $0x3;
	s17 =	sand.u32 $0x78, s13  }
0xf: {  	s30 =	sand.u32 $0x7E00, s13;
	s12 =	sshll.u32 s12, $0xF;
	s16 =	sand.u32 $0xC00, s16  }
0x10: {  	[tilespmem:s15+$0x810 ss:$0x81] =	vst.msk $0xffff, v2;
	s31 =	sand.u32 $0x7, s13;
	s16 =	sor.u32 s17, s16;
	s17 =	sadd.s32 s3, s30  }
0x11: {  	[tilespmem:s15+$0x1020 ss:$0x81] =	vst.msk $0xffff, v0;
	s13 =	sshll.u32 s31, $0x12;
	s12 =	sadd.s32 s12, s17;
	s16 =	sshrl.u32 s16, $0x3  }
0x12: {  	[tilespmem:s15+$0x0 ss:$0x81] =	vst.msk $0xffff, v1;
	s13 =	sor.u32 $0x400, s13;
	s12 =	sadd.s32 s16, s12  }
0x13: {  	[hbm4b:s12+s13] =	stream.strided.scatter [tilespmem:s14], [sflag:$0x2], $0x2000, s8, s13, $0x20;
	[tilespmem:$0x8080] =	vst v63  }
.LBB1_5:
0x14: {  	s14 =	sadd.s32 $0x1, s9  }
0x15: {  	s12 =	sadd.s32 $0x1000, s10;
	s16 =	smov.u32 s10;
	p2 =	sgt.s32 s14, $0xC7  }
0x16: {  	s16 =	smov.u32 @p2 s12  }
0x17: {  	s14 =	simm.s32 @p2 $0x0;
	p2 =	sgt.s32 s16, $0xFFF  }
0x18: {  	s16 =	smov.u32 @p2 s2;
	p2 =	sne.s32 s11, s7  }
.Ltmp1:
0x19: {  	p1 =	slt.u32 s11, $0x2;
	(pc) =	sbr.rel @!p2 .LBB1_6-.Ltmp1, $4  }
0x1a: {  	s15 =	simm.s32 @!p1 $0x2  }
0x1b: {  	s13 =	smov.u32 s10;
	p0 =	por !p0, !p0;
	_ =	swait.ge @!p1 [sflag:s15], $0x2000  }
0x1c: {  	s12 =	smov.u32 s9;
	[sflag:s15] =	ssyncset.done @!p1 $0x0;
	s9 =	smov.u32 s14  }
0x1d: {  	s11 =	sadd.s32 $0x1, s11;
	[sflag:s15] =	ssyncadd.s32 @!p1 $0xFFFFE000;
	s10 =	smov.u32 s16  }
.LBB1_1:
0x1e: {  	p1 =	sge.u32 s11, s5  }
0x1f: {  	s14 =	sand.u32 @!p1 $0x1FFFFFF, s9  }
0x20: {  	s15 =	smulhi.u32 @!p1 $0x147AE15, s14;
	_ =	sdelay $0x1  }
0x21: {  	s15 =	smul.u32 @!p1 $0xC8, s15  }
0x22: {  	s16 =	sxor.u32 @!p1 $0xFFFFFFFF, s11;
	s17 =	smul.u32 @!p1 $0xC80, s10  }
0x23: {  	s31 =	sadd.s32 $0xFFFFFFFF, s11;
	s16 =	sshll.u32 @!p1 s16, $0xD;
	s14 =	ssub.s32 @!p1 s14, s15  }
0x24: {  	s15 =	sand.u32 @!p1 $0x2000, s16;
	s16 =	sadd.s32 @!p1 s6, s17;
	s14 =	sshll.u32 @!p1 s14, $0x4  }
0x25: {  	s17 =	simm.s32 @!p1 $0x6400;
	s14 =	sadd.s32 @!p1 s14, s16;
	s16 =	simm.s32 @!p1 $0x40  }
0x26: {  	[tilespmem:s15], [sflag:$0x1] =	stream.strided.gather @!p1 [hbm4b:s14+s16], $0x2000, s17, s16, $0x38;
	[tilespmem:$0x8080] =	vst v63  }
0x27: {  	p1 =	sge.u32 s31, s5  }
.Ltmp2:
0x28: {  	_ = 	snop;
	(pc) =	sbr.rel @p1 .LBB1_5-.Ltmp2, $1  }
0x29: {  	_ =	sdelay $0x3  }
0x2a: {  	s14 =	simm.s32 $0x1  }
0x2b: {  	_ =	swait.ge [sflag:s4], $0x2000;
	s14 =	simm.s32 @!p0 $0x0  }
0x2c: {  	[sflag:s4] =	ssyncset.done $0x0;
	s15 =	sshll.u32 s14, $0xD  }
0x2d: {  	[sflag:s4] =	ssyncadd.s32 $0xFFFFE000;
	s18 =	sor.u32 $0x20, s15  }
0x2e: {  	s14 =	smul.u32 $0x8100, s14;
	v3 =	vld [tilespmem:s18+$0x10]  }
0x2f: {  	s30 =	sand.u32 $0x1, s11;
	v2 =	vld [tilespmem:s18+$0xFFFFFFF0]  }
0x30: {  	s15 =	smul.u32 $0x8100, s30;
	s14 =	sshrl.u32 s14, $0x2;
	v0 =	vld [tilespmem:s18+$0x0]  }
0x31: {  	v1 =	vld [tilespmem:s18+$0xFFFFFFE0];
	s16 =	sor.u32 $0x4000, s14  }
0x32: {  	s31 =	sshrl.u32 s15, $0x2;
	s15 =	sadd.s32 $0x0, s16  }
0x33: {  	s17 =	simm.s32 $0x4;
	s18 =	sadd.s32 $0x40, s18;
	s14 =	sor.u32 $0x4000, s31;
	[tilespmem:s15+$0x1830 ss:$0x81] =	vst.msk $0xffff, v3  }
.LBB1_3:
0x34: {  	v3 =	vld [tilespmem:s18+$0x10];
	p1 =	sne.s32 s17, $0x1FC;
	[tilespmem:s15+$0x810 ss:$0x81] =	vst.msk $0xffff, v2;
	s19 =	smov.u32 s17;
	s17 =	sadd.s32 $0x4, s17  }
.Ltmp3:
0x35: {  	v2 =	vld [tilespmem:s18+$0xFFFFFFF0];
	[tilespmem:s15+$0x1020 ss:$0x81] =	vst.msk $0xffff, v0;
	(pc) =	sbr.rel @p1 .LBB1_3-.Ltmp3, $4  }
0x36: {  	v0 =	vld [tilespmem:s18+$0x0];
	[tilespmem:s15+$0x0 ss:$0x81] =	vst.msk $0xffff, v1  }
0x37: {  	s15 =	sshra.s32 s19, $0x2;
	v1 =	vld [tilespmem:s18+$0xFFFFFFE0]  }
0x38: {  	s15 =	sadd.s32 s15, s16  }
0x39: {  	s18 =	sadd.s32 $0x40, s18;
	[tilespmem:s15+$0x1830 ss:$0x81] =	vst.msk $0xffff, v3  }
.Ltmp4:
0x3a: {  	_ = 	snop;
	(pc) =	sbr.rel .LBB1_4-.Ltmp4, $1  }
0x3b: {  	_ =	sdelay $0x3  }
.LBB1_6:
0x3c: {  	_ =	sfence.sel $0x180000  }
0x3d: {  	s2 =	simm.s32 $0x1;
	[bflag:$0x0] =	sbarrier.arrive $0xFFFF  }
0x3e: {  	s31 =	simm.s32 $0x2;
	[sflag:s2] =	ssyncpa.u1 $0x1  }
0x3f: {  	[sflag:s31] =	ssyncpa.u1 $0x1  }
0x40: {  	p0 =	sne.s32 s0, $0x0;
	_ =	strace $0x9000004A  }
0x41: {  	s0 =	sadd.s32 @!p0 $0x100000, s1;
	[bflag:$0x2] =	sbarrier.arrive $0xFFFF  }
0x42: {  	[sflag:s0] =	ssyncadd.tile.s32 @!p0 $0x1;
	_ =	shalt  }
.Lfunc_end1:
_tile_overlayer_lowered:
.L_overlay_start_2:
0x43: {  	(tag) =	ssettag $0x2  }
0x44: {  	s0 =	rddreg [dreg:$0x0];
	s2 =	stileid.u32  }
0x45: {  	s1 =	rddreg [dreg:$0x1];
	p0 =	sne.s32 s2, $0x0  }
0x46: {  	s3 =	rddreg [dreg:$0x2];
	[bflag:$0x3] =	sbarrier.arrive $0xFFFF;
	s2 =	simm.s32 @!p0 $0x1C01  }
0x47: {  	[timem:s3], [sflag:s2] =	dma.local @!p0 [hbm:s0], s1  }
0x48: {  	s0 =	simm.s32 @!p0 $0x1  }
0x49: {  	_ =	swait.ge @!p0 [sflag:s0], s1  }
0x4a: {  	s1 =	ssub.s32 @!p0 $0x0, s1;
	[sflag:s0] =	ssyncset.done @!p0 $0x0  }
0x4b: {  	[sflag:s0] =	ssyncadd.s32 @!p0 s1  }
0x4c: {  	[bflag:$0x3] =	sbarrier.arrive $0xFFFF  }
0x4d: {  	_ =	shalt  }

</sc_bundles>
